<compile_context>
chip_gen: v7x
topology: tpu7x:2x2x1
jax: 0.10.2.dev20260603
libtpu: 0.0.44.dev20260713+nightly
codegen_flags: <defaults>
</compile_context>

<pallas_src>
import functools

import jax
import jax.numpy as jnp
from jax import lax
from jax.experimental import pallas as pl
from jax.experimental.pallas import tpu as pltpu
from jax.experimental.pallas import tpu_sc as plsc

P = 128
H = 128
NR = 4
U = 16
N_INST = 4096
BLK = 2048
GRID = N_INST // BLK
LN2 = 0.6931471805599453

_RPT = 4


def _sc_body(orig_hbm, labels_hbm, d_hbm, uniq_hbm, inv_hbm,
             row_v, out_v, lbl_v, sv_v, uniq_v, inv_v):
    wid = lax.axis_index("s")
    base = wid * _RPT
    pltpu.sync_copy(orig_hbm.at[pl.ds(base * P, _RPT * P)], row_v)
    zeros = jnp.zeros((16,), jnp.int32)

    def _zero(i, c):
        out_v[pl.ds(i * 16, 16)] = zeros
        return c

    lax.fori_loop(0, _RPT * 8, _zero, 0)

    def _hist(i, c):
        v16 = row_v[pl.ds(i * 16, 16)]
        cnt, last = plsc.scan_count(v16, mask=v16 < P)
        plsc.addupdate_scatter(out_v, [(i // 8) * P + v16], cnt, mask=last)
        return c

    lax.fori_loop(0, _RPT * 8, _hist, 0)
    for k in range(_RPT):
        j = base + k
        out_row = (j % NR) * U + j // NR
        pltpu.sync_copy(out_v.at[pl.ds(k * P, P)],
                        d_hbm.at[pl.ds(out_row * P, P)])

    @pl.when(wid == 0)
    def _unique():
        pltpu.sync_copy(labels_hbm, lbl_v)
        iota = lax.iota(jnp.int32, 16)
        skeys, spos = plsc.sort_key_val(lbl_v[...], iota)
        sv_v[...] = skeys
        prev = plsc.load_gather(sv_v, [jnp.maximum(iota - 1, 0)])
        first = (iota == 0) | (skeys != prev)
        rank = plsc.cumsum(first.astype(jnp.int32)) - 1
        plsc.store_scatter(inv_v, [spos], rank)
        uniq_v[...] = jnp.full((16,), P, jnp.int32)
        plsc.store_scatter(uniq_v, [rank], skeys)
        pltpu.sync_copy(uniq_v, uniq_hbm)
        pltpu.sync_copy(inv_v, inv_hbm)


_sc_routing = functools.partial(
    pl.kernel,
    out_type=[
        jax.ShapeDtypeStruct((NR * U * P,), jnp.int32),
        jax.ShapeDtypeStruct((U,), jnp.int32),
        jax.ShapeDtypeStruct((U,), jnp.int32),
    ],
    mesh=plsc.VectorSubcoreMesh(core_axis_name="c", subcore_axis_name="s",
                                num_cores=1),
    scratch_types=[
        pltpu.VMEM((4 * P,), jnp.int32),
        pltpu.VMEM((4 * P,), jnp.int32),
        pltpu.VMEM((U,), jnp.int32),
        pltpu.VMEM((U,), jnp.int32),
        pltpu.VMEM((U,), jnp.int32),
        pltpu.VMEM((U,), jnp.int32),
    ],
    compiler_params=pltpu.CompilerParams(needs_layout_passes=False),
)(_sc_body)


def _dg(a, b, ca, cb):
    return lax.dot_general(
        a, b, (((ca,), (cb,)), ((), ())),
        precision=lax.Precision.HIGHEST,
        preferred_element_type=jnp.float32,
    )


def _tc_body(x_ref, rel_ref, proto_ref, d_ref, uniq_ref, inv_ref,
             logits_ref, loss_ref, proto_out_ref, pn_ref):
    i = pl.program_id(0)

    @pl.when(i == 0)
    def _prologue():
        f32 = jnp.float32

        def fiota(shape, dim):
            return lax.broadcasted_iota(jnp.int32, shape, dim).astype(f32)

        eye = (lax.broadcasted_iota(jnp.int32, (U, U), 0) ==
               lax.broadcasted_iota(jnp.int32, (U, U), 1)).astype(f32)

        uniq_row = uniq_ref[...].astype(f32)
        inv_row = inv_ref[...].astype(f32)
        rank_col = _dg(eye, inv_row, 1, 1)
        valid_row = (uniq_row < float(P)).astype(f32)
        valid_col = _dg(eye, valid_row, 1, 1)
        n_valid = jnp.sum(valid_col)

        d64 = d_ref[...].astype(f32)
        d0 = d64[:, 0:1]
        s_nz = (d0 != float(P)).astype(f32)
        kv0 = d0[0:U] + d0[U:2 * U] + d0[2 * U:3 * U] + d0[3 * U:4 * U]
        az = (jnp.sum(kv0) == float(NR * U * P)).astype(f32)
        k_nz = (kv0 != float(NR * P)).astype(f32)
        k64 = jnp.concatenate([k_nz, k_nz, k_nz, k_nz], axis=0)
        dg64 = d64 * s_nz * k64

        e_mat = (rank_col == fiota((U, U), 1)).astype(f32)

        gc = (fiota((P, U), 0) ==
              jnp.minimum(uniq_row, float(P - 1))).astype(f32)
        proto = proto_ref[...]
        t_emb = _dg(gc, proto, 0, 0)

        pstack = jnp.concatenate(
            [_dg(proto, rel_ref[r], 1, 0) for r in range(NR)], axis=0)
        dcat = jnp.concatenate(
            [dg64[r * U:(r + 1) * U] for r in range(NR)], axis=1)
        c_cat = _dg(e_mat, dcat, 1, 0) * valid_col
        z_cat = _dg(t_emb, pstack, 1, 1)
        sim = 1.0 / (1.0 + jnp.exp(-z_cat))
        loss_sum = jnp.sum(c_cat * jnp.log(1.0 + jnp.exp(1.0 - 2.0 * sim)))
        n_eff = jnp.sum(c_cat)
        prop = _dg(c_cat, pstack, 1, 0)
        num_prop = jnp.sum(c_cat, axis=1, keepdims=True)

        denom = jnp.where(num_prop > 0.0, num_prop, 1.0)
        upd = 0.5 * t_emb + 0.5 * prop / denom
        new_rows = jnp.where(num_prop > 0.0, upd, t_emb)
        delta = (new_rows - t_emb) * valid_col * (1.0 - az)
        sc_t = (fiota((P, U), 0) == uniq_row).astype(f32)
        proto_out = proto + _dg(sc_t, delta, 1, 0)
        proto_out_ref[...] = proto_out

        tot = n_valid * float(NR * P)
        loss = (1.0 - az) * ((loss_sum + (tot - n_eff) * LN2) / tot)
        loss_ref[...] = jnp.broadcast_to(loss, (1, 1))

        one_row = jnp.ones((1, P), jnp.float32)
        pn_ref[...] = _dg(one_row, proto_out * proto_out, 1, 1)

    x = x_ref[...]
    xn = jnp.sum(x * x, axis=1, keepdims=True)
    cross = _dg(x, proto_out_ref[...], 1, 1)
    logits_ref[...] = 2.0 * cross - xn - pn_ref[...]


@jax.jit
def _run(x, rel, proto, orig_flat, labels):
    d_flat, uniq, inv = _sc_routing(orig_flat, labels)
    return pl.pallas_call(
        _tc_body,
        grid=(GRID,),
        in_specs=[
            pl.BlockSpec((BLK, H), lambda i: (i, 0)),
            pl.BlockSpec((NR, H, H), lambda i: (0, 0, 0)),
            pl.BlockSpec((P, H), lambda i: (0, 0)),
            pl.BlockSpec((NR * U, P), lambda i: (0, 0)),
            pl.BlockSpec((1, U), lambda i: (0, 0)),
            pl.BlockSpec((1, U), lambda i: (0, 0)),
        ],
        out_specs=[
            pl.BlockSpec((BLK, P), lambda i: (i, 0)),
            pl.BlockSpec((1, 1), lambda i: (0, 0)),
            pl.BlockSpec((P, H), lambda i: (0, 0)),
        ],
        out_shape=[
            jax.ShapeDtypeStruct((N_INST, P), jnp.float32),
            jax.ShapeDtypeStruct((1, 1), jnp.float32),
            jax.ShapeDtypeStruct((P, H), jnp.float32),
        ],
        scratch_shapes=[pltpu.VMEM((1, P), jnp.float32)],
    )(x, rel, proto, d_flat.reshape(NR * U, P),
      uniq.reshape(1, U), inv.reshape(1, U))


def kernel(instance_embedding, relation_embedding, proto_table, rel_label_ids, labels):
    orig_flat = rel_label_ids.astype(jnp.int32).reshape(-1)
    logits, loss, proto_out = _run(
        instance_embedding, relation_embedding, proto_table, orig_flat,
        labels.astype(jnp.int32))
    return (logits, loss.reshape(()), proto_out)

# --- scband reference (transcript-rebuilt; emitter-appended) ---
"""Pipeline reference for scband-proto-13589276525295 (READ-ONLY COPY).

The authoritative reference and input builder live on the scoring server;
editing this copy changes nothing except your own understanding.
"""

import jax, jax.numpy as jnp
import numpy as np

PROTO_SIZE = 128
HIDDEN = 128
NUM_REL = 4
RATIO = 0.5


def setup_inputs(seed: int = 0) -> dict:
    key = jax.random.key(seed)
    k1, k2, k3, k4, k5 = jax.random.split(key, 5)
    return {
        'instance_embedding': jax.random.normal(k1, (4096, HIDDEN), dtype=jnp.float32),
        'relation_embedding': jax.random.normal(k2, (NUM_REL, HIDDEN, HIDDEN), dtype=jnp.float32),
        'proto_table': jax.random.normal(k3, (PROTO_SIZE, HIDDEN), dtype=jnp.float32),
        'rel_label_ids': jax.random.randint(k4, (16, NUM_REL, PROTO_SIZE), 0, PROTO_SIZE + 1),
        'labels': jax.random.randint(k5, (16,), 0, PROTO_SIZE),
    }


def _forward(instance_embedding, relation_embedding, proto_table, rel_label_ids, labels):
    P, H = proto_table.shape
    num_rel = relation_embedding.shape[0]
    U = labels.shape[0]
    labels_unique, index_list = jnp.unique(labels, return_inverse=True, size=U, fill_value=P)
    valid = labels_unique != P
    logits_ol = jnp.zeros((U, num_rel, P, 2), dtype=jnp.float32)
    # faithful to torch: logits_ol[:][:][:][0] = 1.0 actually sets logits_ol[0] = 1.0
    logits_ol = logits_ol.at[0].set(1.0)
    all_zero = jnp.sum(rel_label_ids) == 0
    # faithful to torch: rel_label_ids is indexed by index_list[k] for k in range(U)
    idx_sel = index_list[:U]
    rl = rel_label_ids[idx_sel]  # [U, R, P]
    mask = rl != P
    k_active = jnp.sum(rl, axis=(1, 2)) != 0
    i_active = jnp.sum(rl, axis=2) != 0
    eff = mask & i_active[:, :, None] & k_active[:, None, None] & valid[:, None, None]
    labels_ol = jnp.where(eff, 1, 0).astype(jnp.int32)
    h_emb = proto_table[jnp.clip(rl, 0, P - 1)]  # [U, R, P, H] gather
    t_emb = proto_table[jnp.clip(labels_unique, 0, P - 1)]  # [U, H] gather
    tmp = jnp.einsum('urph,rhg->urpg', h_emb, relation_embedding)
    sim = jax.nn.sigmoid(jnp.einsum('urpg,ug->urp', tmp, t_emb))
    l1 = jnp.where(eff, sim, logits_ol[..., 1])
    l0 = jnp.where(eff, 1.0 - sim, logits_ol[..., 0])
    logits_ol = jnp.stack([l0, l1], axis=-1)
    masked_tmp = jnp.where(eff[..., None], tmp, 0.0)
    prop = jnp.sum(masked_tmp, axis=(1, 2))  # [U, H]
    num_prop = jnp.sum(eff, axis=(1, 2)).astype(jnp.float32)
    denom = jnp.where(num_prop > 0, num_prop, 1.0)
    old_rows = proto_table[jnp.clip(labels_unique, 0, P - 1)]
    upd = RATIO * old_rows + (1.0 - RATIO) * prop / denom[:, None]
    new_rows = jnp.where((num_prop > 0)[:, None], upd, old_rows)
    # scatter-overwrite into prototype memory (labels_unique are distinct)
    proto_upd = proto_table.at[labels_unique].set(new_rows, mode='drop')
    logits_flat = logits_ol.reshape(-1, 2)
    labels_flat = labels_ol.reshape(-1)
    logp = jax.nn.log_softmax(logits_flat, axis=-1)
    terms = jnp.take_along_axis(logp, labels_flat[:, None], axis=1).reshape(U, num_rel, P)
    valid_count = jnp.sum(valid).astype(jnp.float32)
    loss_full = -jnp.sum(jnp.where(valid[:, None, None], terms, 0.0)) / (valid_count * num_rel * P)
    loss_ol = jnp.where(all_zero, jnp.asarray(0.0, dtype=jnp.float32), loss_full)
    proto_out = jnp.where(all_zero, proto_table, proto_upd)
    dist = jnp.sum((proto_out[None, :, :] - instance_embedding[:, None, :]) ** 2, axis=2)
    logits = -dist
    return (logits, loss_ol, proto_out)


def reference(instance_embedding, relation_embedding, proto_table, rel_label_ids, labels):
    return _forward(instance_embedding, relation_embedding, proto_table, rel_label_ids, labels)

if __name__ == "__main__":
    import jax
    _d = setup_inputs()
    print(jax.jit(kernel)(*tuple(_d.values())))

</pallas_src>

<mosaic_0001>
#map = affine_map<(d0, d1) -> (0)>
module attributes {stable_mosaic.version = 14 : i64} {
  func.func @_sc_body(%arg0: i32, %arg1: i32, %arg2: memref<8192xi32, #tpu.memory_space<hbm>>, %arg3: memref<16xi32, #tpu.memory_space<hbm>>, %arg4: memref<8192xi32, #tpu.memory_space<hbm>>, %arg5: memref<16xi32, #tpu.memory_space<hbm>>, %arg6: memref<16xi32, #tpu.memory_space<hbm>>, %arg7: memref<512xi32, #tpu.memory_space<vmem>>, %arg8: memref<512xi32, #tpu.memory_space<vmem>>, %arg9: memref<16xi32, #tpu.memory_space<vmem>>, %arg10: memref<16xi32, #tpu.memory_space<vmem>>, %arg11: memref<16xi32, #tpu.memory_space<vmem>>, %arg12: memref<16xi32, #tpu.memory_space<vmem>>) attributes {dimension_semantics = [#tpu.dimension_semantics<core_parallel>, #tpu.dimension_semantics<subcore_parallel>], iteration_bounds = array<i64: 1, 16>, scalar_prefetch = 0 : i64, scratch_operands = 6 : i64, tpu.core_type = #tpu.core_type<sc_vector_subcore>, window_params = [{transform_indices = #map}, {transform_indices = #map}, {transform_indices = #map}, {transform_indices = #map}, {transform_indices = #map}]} {
    %mul3A = arith.constant 4 : i32
    %mul3A_0 = arith.muli %arg1, %mul3A : i32
    %mul3A_1 = arith.constant 128 : i32
    %mul3A_2 = arith.muli %mul3A_0, %mul3A_1 : i32
    "tpu.region"() ({
      %run_scoped3A = tpu.sem_alloc : memref<!tpu.dma_semaphore, #tpu.memory_space<semaphore_mem>>
      %dma_start3A = tpu.memref_slice %arg2[%mul3A_2] : memref<8192xi32, #tpu.memory_space<hbm>> -> memref<512xi32, #tpu.memory_space<hbm>>
      %dma_start3A_195 = tpu.memref_slice %arg2[%mul3A_2] : memref<8192xi32, #tpu.memory_space<hbm>> -> memref<512xi32, #tpu.memory_space<hbm>>
      tpu.enqueue_dma source(%dma_start3A_195 : memref<512xi32, #tpu.memory_space<hbm>>) target(%arg7 : memref<512xi32, #tpu.memory_space<vmem>>) target_semaphore(%run_scoped3A : memref<!tpu.dma_semaphore, #tpu.memory_space<semaphore_mem>>)
      %dma_wait3A = tpu.memref_slice %arg2[%mul3A_2] : memref<8192xi32, #tpu.memory_space<hbm>> -> memref<512xi32, #tpu.memory_space<hbm>>
      %dma_wait3A_196 = tpu.memref_slice %arg2[%mul3A_2] : memref<8192xi32, #tpu.memory_space<hbm>> -> memref<512xi32, #tpu.memory_space<hbm>>
      tpu.wait_dma2 semaphore(%run_scoped3A : memref<!tpu.dma_semaphore, #tpu.memory_space<semaphore_mem>>) src(%dma_wait3A_196 : memref<512xi32, #tpu.memory_space<hbm>>) dst(%arg7 : memref<512xi32, #tpu.memory_space<vmem>>)
      tpu.yield
    }) : () -> ()
    %broadcast_in_dim3A = arith.constant 0 : i32
    %broadcast_in_dim3A_3 = vector.broadcast %broadcast_in_dim3A : i32 to vector<16xi32>
    %scan3A = arith.constant 0 : i32
    %scan3A_4 = arith.constant 0 : i32
    %scan3A_5 = arith.constant 32 : i32
    %scan3A_6 = arith.addi %scan3A_4, %scan3A_5 : i32
    %scan3A_7 = arith.constant 1 : i32
    scf.for %scan3A_195 = %scan3A_4 to %scan3A_6 step %scan3A_7  : i32 {
      %mul3A_196 = arith.constant 16 : i32
      %mul3A_197 = arith.muli %scan3A_195, %mul3A_196 : i32
      %swap3A = arith.index_cast %mul3A_197 : i32 to index
      %swap3A_198 = tpu.vector_load %arg8[%swap3A] {strides = array<i32>} : memref<512xi32, #tpu.memory_space<vmem>>, vector<16xi32>,
      tpu.vector_store %arg8[%swap3A], %broadcast_in_dim3A_3 {strides = array<i32>} : memref<512xi32, #tpu.memory_space<vmem>>, vector<16xi32>,
    }
    %scan3A_8 = arith.constant 32 : i32
    %scan3A_9 = arith.constant 0 : i32
    %scan3A_10 = arith.constant 0 : i32
    %scan3A_11 = arith.constant 32 : i32
    %scan3A_12 = arith.addi %scan3A_10, %scan3A_11 : i32
    %scan3A_13 = arith.constant 1 : i32
    scf.for %scan3A_195 = %scan3A_10 to %scan3A_12 step %scan3A_13  : i32 {
      %mul3A_196 = arith.constant 16 : i32
      %mul3A_197 = arith.muli %scan3A_195, %mul3A_196 : i32
      %get3A = arith.index_cast %mul3A_197 : i32 to index
      %get3A_198 = tpu.vector_load %arg7[%get3A] {strides = array<i32>} : memref<512xi32, #tpu.memory_space<vmem>>, vector<16xi32>,
      %lt3A_199 = arith.constant 128 : i32
      %lt3A_200 = vector.broadcast %lt3A_199 : i32 to vector<16xi32>
      %lt3A_201 = arith.cmpi slt, %get3A_198, %lt3A_200 : vector<16xi32>
      %unique3A, %unique3A_202 = tpu.scan_count mask(%lt3A_201 : vector<16xi1>) value(%get3A_198 : vector<16xi32>) : vector<16xi1>, vector<16xi32>
      %jit3A_203 = arith.constant 8 : i32
      %div3A_204 = arith.divsi %scan3A_195, %jit3A_203 : i32
      %sign3A_205 = arith.constant 0 : i32
      %sign3A_206 = arith.cmpi sgt, %scan3A_195, %sign3A_205 : i32
      %sign3A_207 = arith.extui %sign3A_206 : i1 to i32
      %sign3A_208 = arith.constant 0 : i32
      %sign3A_209 = arith.cmpi slt, %scan3A_195, %sign3A_208 : i32
      %sign3A_210 = arith.extui %sign3A_209 : i1 to i32
      %sign3A_211 = arith.subi %sign3A_207, %sign3A_210 : i32
      %sign3A_212 = arith.constant 0 : i32
      %sign3A_213 = arith.cmpi sgt, %jit3A_203, %sign3A_212 : i32
      %sign3A_214 = arith.extui %sign3A_213 : i1 to i32
      %sign3A_215 = arith.constant 0 : i32
      %sign3A_216 = arith.cmpi slt, %jit3A_203, %sign3A_215 : i32
      %sign3A_217 = arith.extui %sign3A_216 : i1 to i32
      %sign3A_218 = arith.subi %sign3A_214, %sign3A_217 : i32
      %ne3A_219 = arith.cmpi ne, %sign3A_211, %sign3A_218 : i32
      %rem3A_220 = arith.remsi %scan3A_195, %jit3A_203 : i32
      %ne3A_221 = arith.constant 0 : i32
      %ne3A_222 = arith.cmpi ne, %rem3A_220, %ne3A_221 : i32
      %and3A_223 = arith.andi %ne3A_219, %ne3A_222 : i1
      %sub3A_224 = arith.constant 1 : i32
      %sub3A_225 = arith.subi %div3A_204, %sub3A_224 : i32
      %select_n3A_226 = arith.select %and3A_223, %sub3A_225, %div3A_204 : i32
      %mul3A_227 = arith.constant 128 : i32
      %mul3A_228 = arith.muli %select_n3A_226, %mul3A_227 : i32
      %add3A_229 = vector.broadcast %mul3A_228 : i32 to vector<16xi32>
      %add3A_230 = arith.addi %add3A_229, %get3A_198 : vector<16xi32>
      tpu.vector_store_idx %arg8[%add3A_230], %unique3A_202 masked %unique3A {add = true} : memref<512xi32, #tpu.memory_space<vmem>>[vector<16xi32>], vector<16xi32>, vector<16xi1>
    }
    %scan3A_14 = arith.constant 32 : i32
    %add3A = arith.constant 0 : i32
    %add3A_15 = arith.addi %mul3A_0, %add3A : i32
    %jit3A = arith.constant 4 : i32
    %eq3A = arith.constant 0 : i32
    %eq3A_16 = arith.cmpi eq, %jit3A, %eq3A : i32
    %jit3A_17 = arith.constant 1 : i32
    %select_n3A = arith.select %eq3A_16, %jit3A_17, %jit3A : i32
    %rem3A = arith.remsi %add3A_15, %select_n3A : i32
    %ne3A = arith.constant 0 : i32
    %ne3A_18 = arith.cmpi ne, %rem3A, %ne3A : i32
    %lt3A = arith.constant 0 : i32
    %lt3A_19 = arith.cmpi slt, %rem3A, %lt3A : i32
    %lt3A_20 = arith.constant 0 : i32
    %lt3A_21 = arith.cmpi slt, %select_n3A, %lt3A_20 : i32
    %ne3A_22 = arith.xori %lt3A_19, %lt3A_21 : i1
    %and3A = arith.andi %ne3A_22, %ne3A_18 : i1
    %add3A_23 = arith.addi %rem3A, %select_n3A : i32
    %select_n3A_24 = arith.select %and3A, %add3A_23, %rem3A : i32
    %mul3A_25 = arith.constant 16 : i32
    %mul3A_26 = arith.muli %select_n3A_24, %mul3A_25 : i32
    %jit3A_27 = arith.constant 4 : i32
    %div3A = arith.divsi %add3A_15, %jit3A_27 : i32
    %sign3A = arith.constant 0 : i32
    %sign3A_28 = arith.cmpi sgt, %add3A_15, %sign3A : i32
    %sign3A_29 = arith.extui %sign3A_28 : i1 to i32
    %sign3A_30 = arith.constant 0 : i32
    %sign3A_31 = arith.cmpi slt, %add3A_15, %sign3A_30 : i32
    %sign3A_32 = arith.extui %sign3A_31 : i1 to i32
    %sign3A_33 = arith.subi %sign3A_29, %sign3A_32 : i32
    %sign3A_34 = arith.constant 0 : i32
    %sign3A_35 = arith.cmpi sgt, %jit3A_27, %sign3A_34 : i32
    %sign3A_36 = arith.extui %sign3A_35 : i1 to i32
    %sign3A_37 = arith.constant 0 : i32
    %sign3A_38 = arith.cmpi slt, %jit3A_27, %sign3A_37 : i32
    %sign3A_39 = arith.extui %sign3A_38 : i1 to i32
    %sign3A_40 = arith.subi %sign3A_36, %sign3A_39 : i32
    %ne3A_41 = arith.cmpi ne, %sign3A_33, %sign3A_40 : i32
    %rem3A_42 = arith.remsi %add3A_15, %jit3A_27 : i32
    %ne3A_43 = arith.constant 0 : i32
    %ne3A_44 = arith.cmpi ne, %rem3A_42, %ne3A_43 : i32
    %and3A_45 = arith.andi %ne3A_41, %ne3A_44 : i1
    %sub3A = arith.constant 1 : i32
    %sub3A_46 = arith.subi %div3A, %sub3A : i32
    %select_n3A_47 = arith.select %and3A_45, %sub3A_46, %div3A : i32
    %add3A_48 = arith.addi %mul3A_26, %select_n3A_47 : i32
    %mul3A_49 = arith.constant 128 : i32
    %mul3A_50 = arith.muli %add3A_48, %mul3A_49 : i32
    "tpu.region"() ({
      %run_scoped3A = tpu.sem_alloc : memref<!tpu.dma_semaphore, #tpu.memory_space<semaphore_mem>>
      %dma_start3A = arith.constant 0 : i32
      %dma_start3A_195 = tpu.memref_slice %arg8[%dma_start3A] : memref<512xi32, #tpu.memory_space<vmem>> -> memref<128xi32, #tpu.memory_space<vmem>>
      %dma_start3A_196 = tpu.memref_slice %arg4[%mul3A_50] : memref<8192xi32, #tpu.memory_space<hbm>> -> memref<128xi32, #tpu.memory_space<hbm>>
      %dma_start3A_197 = tpu.memref_slice %arg4[%mul3A_50] : memref<8192xi32, #tpu.memory_space<hbm>> -> memref<128xi32, #tpu.memory_space<hbm>>
      %dma_start3A_198 = arith.constant 0 : i32
      %dma_start3A_199 = tpu.memref_slice %arg8[%dma_start3A_198] : memref<512xi32, #tpu.memory_space<vmem>> -> memref<128xi32, #tpu.memory_space<vmem>>
      tpu.enqueue_dma source(%dma_start3A_199 : memref<128xi32, #tpu.memory_space<vmem>>) target(%dma_start3A_197 : memref<128xi32, #tpu.memory_space<hbm>>) target_semaphore(%run_scoped3A : memref<!tpu.dma_semaphore, #tpu.memory_space<semaphore_mem>>)
      %dma_wait3A = arith.constant 0 : i32
      %dma_wait3A_200 = tpu.memref_slice %arg8[%dma_wait3A] : memref<512xi32, #tpu.memory_space<vmem>> -> memref<128xi32, #tpu.memory_space<vmem>>
      %dma_wait3A_201 = tpu.memref_slice %arg4[%mul3A_50] : memref<8192xi32, #tpu.memory_space<hbm>> -> memref<128xi32, #tpu.memory_space<hbm>>
      %dma_wait3A_202 = tpu.memref_slice %arg4[%mul3A_50] : memref<8192xi32, #tpu.memory_space<hbm>> -> memref<128xi32, #tpu.memory_space<hbm>>
      %dma_wait3A_203 = arith.constant 0 : i32
      %dma_wait3A_204 = tpu.memref_slice %arg8[%dma_wait3A_203] : memref<512xi32, #tpu.memory_space<vmem>> -> memref<128xi32, #tpu.memory_space<vmem>>
      tpu.wait_dma2 semaphore(%run_scoped3A : memref<!tpu.dma_semaphore, #tpu.memory_space<semaphore_mem>>) src(%dma_wait3A_204 : memref<128xi32, #tpu.memory_space<vmem>>) dst(%dma_wait3A_202 : memref<128xi32, #tpu.memory_space<hbm>>)
      tpu.yield
    }) : () -> ()
    %add3A_51 = arith.constant 1 : i32
    %add3A_52 = arith.addi %mul3A_0, %add3A_51 : i32
    %jit3A_53 = arith.constant 4 : i32
    %eq3A_54 = arith.constant 0 : i32
    %eq3A_55 = arith.cmpi eq, %jit3A_53, %eq3A_54 : i32
    %jit3A_56 = arith.constant 1 : i32
    %select_n3A_57 = arith.select %eq3A_55, %jit3A_56, %jit3A_53 : i32
    %rem3A_58 = arith.remsi %add3A_52, %select_n3A_57 : i32
    %ne3A_59 = arith.constant 0 : i32
    %ne3A_60 = arith.cmpi ne, %rem3A_58, %ne3A_59 : i32
    %lt3A_61 = arith.constant 0 : i32
    %lt3A_62 = arith.cmpi slt, %rem3A_58, %lt3A_61 : i32
    %lt3A_63 = arith.constant 0 : i32
    %lt3A_64 = arith.cmpi slt, %select_n3A_57, %lt3A_63 : i32
    %ne3A_65 = arith.xori %lt3A_62, %lt3A_64 : i1
    %and3A_66 = arith.andi %ne3A_65, %ne3A_60 : i1
    %add3A_67 = arith.addi %rem3A_58, %select_n3A_57 : i32
    %select_n3A_68 = arith.select %and3A_66, %add3A_67, %rem3A_58 : i32
    %mul3A_69 = arith.constant 16 : i32
    %mul3A_70 = arith.muli %select_n3A_68, %mul3A_69 : i32
    %jit3A_71 = arith.constant 4 : i32
    %div3A_72 = arith.divsi %add3A_52, %jit3A_71 : i32
    %sign3A_73 = arith.constant 0 : i32
    %sign3A_74 = arith.cmpi sgt, %add3A_52, %sign3A_73 : i32
    %sign3A_75 = arith.extui %sign3A_74 : i1 to i32
    %sign3A_76 = arith.constant 0 : i32
    %sign3A_77 = arith.cmpi slt, %add3A_52, %sign3A_76 : i32
    %sign3A_78 = arith.extui %sign3A_77 : i1 to i32
    %sign3A_79 = arith.subi %sign3A_75, %sign3A_78 : i32
    %sign3A_80 = arith.constant 0 : i32
    %sign3A_81 = arith.cmpi sgt, %jit3A_71, %sign3A_80 : i32
    %sign3A_82 = arith.extui %sign3A_81 : i1 to i32
    %sign3A_83 = arith.constant 0 : i32
    %sign3A_84 = arith.cmpi slt, %jit3A_71, %sign3A_83 : i32
    %sign3A_85 = arith.extui %sign3A_84 : i1 to i32
    %sign3A_86 = arith.subi %sign3A_82, %sign3A_85 : i32
    %ne3A_87 = arith.cmpi ne, %sign3A_79, %sign3A_86 : i32
    %rem3A_88 = arith.remsi %add3A_52, %jit3A_71 : i32
    %ne3A_89 = arith.constant 0 : i32
    %ne3A_90 = arith.cmpi ne, %rem3A_88, %ne3A_89 : i32
    %and3A_91 = arith.andi %ne3A_87, %ne3A_90 : i1
    %sub3A_92 = arith.constant 1 : i32
    %sub3A_93 = arith.subi %div3A_72, %sub3A_92 : i32
    %select_n3A_94 = arith.select %and3A_91, %sub3A_93, %div3A_72 : i32
    %add3A_95 = arith.addi %mul3A_70, %select_n3A_94 : i32
    %mul3A_96 = arith.constant 128 : i32
    %mul3A_97 = arith.muli %add3A_95, %mul3A_96 : i32
    "tpu.region"() ({
      %run_scoped3A = tpu.sem_alloc : memref<!tpu.dma_semaphore, #tpu.memory_space<semaphore_mem>>
      %dma_start3A = arith.constant 128 : i32
      %dma_start3A_195 = tpu.memref_slice %arg8[%dma_start3A] : memref<512xi32, #tpu.memory_space<vmem>> -> memref<128xi32, #tpu.memory_space<vmem>>
      %dma_start3A_196 = tpu.memref_slice %arg4[%mul3A_97] : memref<8192xi32, #tpu.memory_space<hbm>> -> memref<128xi32, #tpu.memory_space<hbm>>
      %dma_start3A_197 = tpu.memref_slice %arg4[%mul3A_97] : memref<8192xi32, #tpu.memory_space<hbm>> -> memref<128xi32, #tpu.memory_space<hbm>>
      %dma_start3A_198 = arith.constant 128 : i32
      %dma_start3A_199 = tpu.memref_slice %arg8[%dma_start3A_198] : memref<512xi32, #tpu.memory_space<vmem>> -> memref<128xi32, #tpu.memory_space<vmem>>
      tpu.enqueue_dma source(%dma_start3A_199 : memref<128xi32, #tpu.memory_space<vmem>>) target(%dma_start3A_197 : memref<128xi32, #tpu.memory_space<hbm>>) target_semaphore(%run_scoped3A : memref<!tpu.dma_semaphore, #tpu.memory_space<semaphore_mem>>)
      %dma_wait3A = arith.constant 128 : i32
      %dma_wait3A_200 = tpu.memref_slice %arg8[%dma_wait3A] : memref<512xi32, #tpu.memory_space<vmem>> -> memref<128xi32, #tpu.memory_space<vmem>>
      %dma_wait3A_201 = tpu.memref_slice %arg4[%mul3A_97] : memref<8192xi32, #tpu.memory_space<hbm>> -> memref<128xi32, #tpu.memory_space<hbm>>
      %dma_wait3A_202 = tpu.memref_slice %arg4[%mul3A_97] : memref<8192xi32, #tpu.memory_space<hbm>> -> memref<128xi32, #tpu.memory_space<hbm>>
      %dma_wait3A_203 = arith.constant 128 : i32
      %dma_wait3A_204 = tpu.memref_slice %arg8[%dma_wait3A_203] : memref<512xi32, #tpu.memory_space<vmem>> -> memref<128xi32, #tpu.memory_space<vmem>>
      tpu.wait_dma2 semaphore(%run_scoped3A : memref<!tpu.dma_semaphore, #tpu.memory_space<semaphore_mem>>) src(%dma_wait3A_204 : memref<128xi32, #tpu.memory_space<vmem>>) dst(%dma_wait3A_202 : memref<128xi32, #tpu.memory_space<hbm>>)
      tpu.yield
    }) : () -> ()
    %add3A_98 = arith.constant 2 : i32
    %add3A_99 = arith.addi %mul3A_0, %add3A_98 : i32
    %jit3A_100 = arith.constant 4 : i32
    %eq3A_101 = arith.constant 0 : i32
    %eq3A_102 = arith.cmpi eq, %jit3A_100, %eq3A_101 : i32
    %jit3A_103 = arith.constant 1 : i32
    %select_n3A_104 = arith.select %eq3A_102, %jit3A_103, %jit3A_100 : i32
    %rem3A_105 = arith.remsi %add3A_99, %select_n3A_104 : i32
    %ne3A_106 = arith.constant 0 : i32
    %ne3A_107 = arith.cmpi ne, %rem3A_105, %ne3A_106 : i32
    %lt3A_108 = arith.constant 0 : i32
    %lt3A_109 = arith.cmpi slt, %rem3A_105, %lt3A_108 : i32
    %lt3A_110 = arith.constant 0 : i32
    %lt3A_111 = arith.cmpi slt, %select_n3A_104, %lt3A_110 : i32
    %ne3A_112 = arith.xori %lt3A_109, %lt3A_111 : i1
    %and3A_113 = arith.andi %ne3A_112, %ne3A_107 : i1
    %add3A_114 = arith.addi %rem3A_105, %select_n3A_104 : i32
    %select_n3A_115 = arith.select %and3A_113, %add3A_114, %rem3A_105 : i32
    %mul3A_116 = arith.constant 16 : i32
    %mul3A_117 = arith.muli %select_n3A_115, %mul3A_116 : i32
    %jit3A_118 = arith.constant 4 : i32
    %div3A_119 = arith.divsi %add3A_99, %jit3A_118 : i32
    %sign3A_120 = arith.constant 0 : i32
    %sign3A_121 = arith.cmpi sgt, %add3A_99, %sign3A_120 : i32
    %sign3A_122 = arith.extui %sign3A_121 : i1 to i32
    %sign3A_123 = arith.constant 0 : i32
    %sign3A_124 = arith.cmpi slt, %add3A_99, %sign3A_123 : i32
    %sign3A_125 = arith.extui %sign3A_124 : i1 to i32
    %sign3A_126 = arith.subi %sign3A_122, %sign3A_125 : i32
    %sign3A_127 = arith.constant 0 : i32
    %sign3A_128 = arith.cmpi sgt, %jit3A_118, %sign3A_127 : i32
    %sign3A_129 = arith.extui %sign3A_128 : i1 to i32
    %sign3A_130 = arith.constant 0 : i32
    %sign3A_131 = arith.cmpi slt, %jit3A_118, %sign3A_130 : i32
    %sign3A_132 = arith.extui %sign3A_131 : i1 to i32
    %sign3A_133 = arith.subi %sign3A_129, %sign3A_132 : i32
    %ne3A_134 = arith.cmpi ne, %sign3A_126, %sign3A_133 : i32
    %rem3A_135 = arith.remsi %add3A_99, %jit3A_118 : i32
    %ne3A_136 = arith.constant 0 : i32
    %ne3A_137 = arith.cmpi ne, %rem3A_135, %ne3A_136 : i32
    %and3A_138 = arith.andi %ne3A_134, %ne3A_137 : i1
    %sub3A_139 = arith.constant 1 : i32
    %sub3A_140 = arith.subi %div3A_119, %sub3A_139 : i32
    %select_n3A_141 = arith.select %and3A_138, %sub3A_140, %div3A_119 : i32
    %add3A_142 = arith.addi %mul3A_117, %select_n3A_141 : i32
    %mul3A_143 = arith.constant 128 : i32
    %mul3A_144 = arith.muli %add3A_142, %mul3A_143 : i32
    "tpu.region"() ({
      %run_scoped3A = tpu.sem_alloc : memref<!tpu.dma_semaphore, #tpu.memory_space<semaphore_mem>>
      %dma_start3A = arith.constant 256 : i32
      %dma_start3A_195 = tpu.memref_slice %arg8[%dma_start3A] : memref<512xi32, #tpu.memory_space<vmem>> -> memref<128xi32, #tpu.memory_space<vmem>>
      %dma_start3A_196 = tpu.memref_slice %arg4[%mul3A_144] : memref<8192xi32, #tpu.memory_space<hbm>> -> memref<128xi32, #tpu.memory_space<hbm>>
      %dma_start3A_197 = tpu.memref_slice %arg4[%mul3A_144] : memref<8192xi32, #tpu.memory_space<hbm>> -> memref<128xi32, #tpu.memory_space<hbm>>
      %dma_start3A_198 = arith.constant 256 : i32
      %dma_start3A_199 = tpu.memref_slice %arg8[%dma_start3A_198] : memref<512xi32, #tpu.memory_space<vmem>> -> memref<128xi32, #tpu.memory_space<vmem>>
      tpu.enqueue_dma source(%dma_start3A_199 : memref<128xi32, #tpu.memory_space<vmem>>) target(%dma_start3A_197 : memref<128xi32, #tpu.memory_space<hbm>>) target_semaphore(%run_scoped3A : memref<!tpu.dma_semaphore, #tpu.memory_space<semaphore_mem>>)
      %dma_wait3A = arith.constant 256 : i32
      %dma_wait3A_200 = tpu.memref_slice %arg8[%dma_wait3A] : memref<512xi32, #tpu.memory_space<vmem>> -> memref<128xi32, #tpu.memory_space<vmem>>
      %dma_wait3A_201 = tpu.memref_slice %arg4[%mul3A_144] : memref<8192xi32, #tpu.memory_space<hbm>> -> memref<128xi32, #tpu.memory_space<hbm>>
      %dma_wait3A_202 = tpu.memref_slice %arg4[%mul3A_144] : memref<8192xi32, #tpu.memory_space<hbm>> -> memref<128xi32, #tpu.memory_space<hbm>>
      %dma_wait3A_203 = arith.constant 256 : i32
      %dma_wait3A_204 = tpu.memref_slice %arg8[%dma_wait3A_203] : memref<512xi32, #tpu.memory_space<vmem>> -> memref<128xi32, #tpu.memory_space<vmem>>
      tpu.wait_dma2 semaphore(%run_scoped3A : memref<!tpu.dma_semaphore, #tpu.memory_space<semaphore_mem>>) src(%dma_wait3A_204 : memref<128xi32, #tpu.memory_space<vmem>>) dst(%dma_wait3A_202 : memref<128xi32, #tpu.memory_space<hbm>>)
      tpu.yield
    }) : () -> ()
    %add3A_145 = arith.constant 3 : i32
    %add3A_146 = arith.addi %mul3A_0, %add3A_145 : i32
    %jit3A_147 = arith.constant 4 : i32
    %eq3A_148 = arith.constant 0 : i32
    %eq3A_149 = arith.cmpi eq, %jit3A_147, %eq3A_148 : i32
    %jit3A_150 = arith.constant 1 : i32
    %select_n3A_151 = arith.select %eq3A_149, %jit3A_150, %jit3A_147 : i32
    %rem3A_152 = arith.remsi %add3A_146, %select_n3A_151 : i32
    %ne3A_153 = arith.constant 0 : i32
    %ne3A_154 = arith.cmpi ne, %rem3A_152, %ne3A_153 : i32
    %lt3A_155 = arith.constant 0 : i32
    %lt3A_156 = arith.cmpi slt, %rem3A_152, %lt3A_155 : i32
    %lt3A_157 = arith.constant 0 : i32
    %lt3A_158 = arith.cmpi slt, %select_n3A_151, %lt3A_157 : i32
    %ne3A_159 = arith.xori %lt3A_156, %lt3A_158 : i1
    %and3A_160 = arith.andi %ne3A_159, %ne3A_154 : i1
    %add3A_161 = arith.addi %rem3A_152, %select_n3A_151 : i32
    %select_n3A_162 = arith.select %and3A_160, %add3A_161, %rem3A_152 : i32
    %mul3A_163 = arith.constant 16 : i32
    %mul3A_164 = arith.muli %select_n3A_162, %mul3A_163 : i32
    %jit3A_165 = arith.constant 4 : i32
    %div3A_166 = arith.divsi %add3A_146, %jit3A_165 : i32
    %sign3A_167 = arith.constant 0 : i32
    %sign3A_168 = arith.cmpi sgt, %add3A_146, %sign3A_167 : i32
    %sign3A_169 = arith.extui %sign3A_168 : i1 to i32
    %sign3A_170 = arith.constant 0 : i32
    %sign3A_171 = arith.cmpi slt, %add3A_146, %sign3A_170 : i32
    %sign3A_172 = arith.extui %sign3A_171 : i1 to i32
    %sign3A_173 = arith.subi %sign3A_169, %sign3A_172 : i32
    %sign3A_174 = arith.constant 0 : i32
    %sign3A_175 = arith.cmpi sgt, %jit3A_165, %sign3A_174 : i32
    %sign3A_176 = arith.extui %sign3A_175 : i1 to i32
    %sign3A_177 = arith.constant 0 : i32
    %sign3A_178 = arith.cmpi slt, %jit3A_165, %sign3A_177 : i32
    %sign3A_179 = arith.extui %sign3A_178 : i1 to i32
    %sign3A_180 = arith.subi %sign3A_176, %sign3A_179 : i32
    %ne3A_181 = arith.cmpi ne, %sign3A_173, %sign3A_180 : i32
    %rem3A_182 = arith.remsi %add3A_146, %jit3A_165 : i32
    %ne3A_183 = arith.constant 0 : i32
    %ne3A_184 = arith.cmpi ne, %rem3A_182, %ne3A_183 : i32
    %and3A_185 = arith.andi %ne3A_181, %ne3A_184 : i1
    %sub3A_186 = arith.constant 1 : i32
    %sub3A_187 = arith.subi %div3A_166, %sub3A_186 : i32
    %select_n3A_188 = arith.select %and3A_185, %sub3A_187, %div3A_166 : i32
    %add3A_189 = arith.addi %mul3A_164, %select_n3A_188 : i32
    %mul3A_190 = arith.constant 128 : i32
    %mul3A_191 = arith.muli %add3A_189, %mul3A_190 : i32
    "tpu.region"() ({
      %run_scoped3A = tpu.sem_alloc : memref<!tpu.dma_semaphore, #tpu.memory_space<semaphore_mem>>
      %dma_start3A = arith.constant 384 : i32
      %dma_start3A_195 = tpu.memref_slice %arg8[%dma_start3A] : memref<512xi32, #tpu.memory_space<vmem>> -> memref<128xi32, #tpu.memory_space<vmem>>
      %dma_start3A_196 = tpu.memref_slice %arg4[%mul3A_191] : memref<8192xi32, #tpu.memory_space<hbm>> -> memref<128xi32, #tpu.memory_space<hbm>>
      %dma_start3A_197 = tpu.memref_slice %arg4[%mul3A_191] : memref<8192xi32, #tpu.memory_space<hbm>> -> memref<128xi32, #tpu.memory_space<hbm>>
      %dma_start3A_198 = arith.constant 384 : i32
      %dma_start3A_199 = tpu.memref_slice %arg8[%dma_start3A_198] : memref<512xi32, #tpu.memory_space<vmem>> -> memref<128xi32, #tpu.memory_space<vmem>>
      tpu.enqueue_dma source(%dma_start3A_199 : memref<128xi32, #tpu.memory_space<vmem>>) target(%dma_start3A_197 : memref<128xi32, #tpu.memory_space<hbm>>) target_semaphore(%run_scoped3A : memref<!tpu.dma_semaphore, #tpu.memory_space<semaphore_mem>>)
      %dma_wait3A = arith.constant 384 : i32
      %dma_wait3A_200 = tpu.memref_slice %arg8[%dma_wait3A] : memref<512xi32, #tpu.memory_space<vmem>> -> memref<128xi32, #tpu.memory_space<vmem>>
      %dma_wait3A_201 = tpu.memref_slice %arg4[%mul3A_191] : memref<8192xi32, #tpu.memory_space<hbm>> -> memref<128xi32, #tpu.memory_space<hbm>>
      %dma_wait3A_202 = tpu.memref_slice %arg4[%mul3A_191] : memref<8192xi32, #tpu.memory_space<hbm>> -> memref<128xi32, #tpu.memory_space<hbm>>
      %dma_wait3A_203 = arith.constant 384 : i32
      %dma_wait3A_204 = tpu.memref_slice %arg8[%dma_wait3A_203] : memref<512xi32, #tpu.memory_space<vmem>> -> memref<128xi32, #tpu.memory_space<vmem>>
      tpu.wait_dma2 semaphore(%run_scoped3A : memref<!tpu.dma_semaphore, #tpu.memory_space<semaphore_mem>>) src(%dma_wait3A_204 : memref<128xi32, #tpu.memory_space<vmem>>) dst(%dma_wait3A_202 : memref<128xi32, #tpu.memory_space<hbm>>)
      tpu.yield
    }) : () -> ()
    %eq3A_192 = arith.constant 0 : i32
    %eq3A_193 = arith.cmpi eq, %arg1, %eq3A_192 : i32
    %convert_element_type3A = arith.extui %eq3A_193 : i1 to i32
    %cond3A = arith.constant 0 : i32
    %cond3A_194 = arith.cmpi ne, %convert_element_type3A, %cond3A : i32
    scf.if %cond3A_194 {
      "tpu.region"() ({
        %run_scoped3A = tpu.sem_alloc : memref<!tpu.dma_semaphore, #tpu.memory_space<semaphore_mem>>
        tpu.enqueue_dma source(%arg3 : memref<16xi32, #tpu.memory_space<hbm>>) target(%arg9 : memref<16xi32, #tpu.memory_space<vmem>>) target_semaphore(%run_scoped3A : memref<!tpu.dma_semaphore, #tpu.memory_space<semaphore_mem>>)
        tpu.wait_dma2 semaphore(%run_scoped3A : memref<!tpu.dma_semaphore, #tpu.memory_space<semaphore_mem>>) src(%arg3 : memref<16xi32, #tpu.memory_space<hbm>>) dst(%arg9 : memref<16xi32, #tpu.memory_space<vmem>>)
        tpu.yield
      }) : () -> ()
      %iota3A = tpu.iota {dimensions = array<i32: 0>} : vector<16xi32>
      %get3A = arith.constant 0 : index
      %get3A_195 = tpu.vector_load %arg9[%get3A] {strides = array<i32>} : memref<16xi32, #tpu.memory_space<vmem>>, vector<16xi32>,
      %masked_sort3A = arith.constant dense<true> : vector<16xi1>
      %masked_sort3A_196 = arith.constant -2147483648 : i32
      %masked_sort3A_197 = vector.broadcast %masked_sort3A_196 : i32 to vector<16xi32>
      %masked_sort3A_198 = arith.xori %get3A_195, %masked_sort3A_197 : vector<16xi32>
      %masked_sort3A_199, %masked_sort3A_200, %masked_sort3A_201 = tpu.sort %masked_sort3A_198, %iota3A masked %masked_sort3A : (vector<16xi32>, vector<16xi32>, vector<16xi1>) -> (vector<16xi1>, vector<16xi32>, vector<16xi32>)
      %masked_sort3A_202 = arith.xori %masked_sort3A_200, %masked_sort3A_197 : vector<16xi32>
      %swap3A = arith.constant 0 : index
      %swap3A_203 = tpu.vector_load %arg10[%swap3A] {strides = array<i32>} : memref<16xi32, #tpu.memory_space<vmem>>, vector<16xi32>,
      tpu.vector_store %arg10[%swap3A], %masked_sort3A_202 {strides = array<i32>} : memref<16xi32, #tpu.memory_space<vmem>>, vector<16xi32>,
      %sub3A_204 = arith.constant 1 : i32
      %sub3A_205 = vector.broadcast %sub3A_204 : i32 to vector<16xi32>
      %sub3A_206 = arith.subi %iota3A, %sub3A_205 : vector<16xi32>
      %max3A = arith.constant 0 : i32
      %max3A_207 = vector.broadcast %max3A : i32 to vector<16xi32>
      %max3A_208 = arith.maxsi %sub3A_206, %max3A_207 : vector<16xi32>
      %gather3A = tpu.vector_load_idx %arg10[%max3A_208] : memref<16xi32, #tpu.memory_space<vmem>>[vector<16xi32>], vector<16xi32>,
      %eq3A_209 = arith.constant 0 : i32
      %eq3A_210 = vector.broadcast %eq3A_209 : i32 to vector<16xi32>
      %eq3A_211 = arith.cmpi eq, %iota3A, %eq3A_210 : vector<16xi32>
      %ne3A_212 = arith.cmpi ne, %masked_sort3A_202, %gather3A : vector<16xi32>
      %or3A = arith.ori %eq3A_211, %ne3A_212 : vector<16xi1>
      %convert_element_type3A_213 = arith.extui %or3A : vector<16xi1> to vector<16xi32>
      %broadcast_in_dim3A_214 = arith.constant true
      %broadcast_in_dim3A_215 = vector.broadcast %broadcast_in_dim3A_214 : i1 to vector<16xi1>
      %masked_cumsum3A = tpu.scan <sum>, %convert_element_type3A_213 masked %broadcast_in_dim3A_215 : vector<16xi32>, vector<16xi1> -> vector<16xi32>
      %sub3A_216 = arith.constant 1 : i32
      %sub3A_217 = vector.broadcast %sub3A_216 : i32 to vector<16xi32>
      %sub3A_218 = arith.subi %masked_cumsum3A, %sub3A_217 : vector<16xi32>
      tpu.vector_store_idx %arg12[%masked_sort3A_201], %sub3A_218 : memref<16xi32, #tpu.memory_space<vmem>>[vector<16xi32>], vector<16xi32>,
      %broadcast_in_dim3A_219 = arith.constant 128 : i32
      %broadcast_in_dim3A_220 = vector.broadcast %broadcast_in_dim3A_219 : i32 to vector<16xi32>
      %swap3A_221 = arith.constant 0 : index
      %swap3A_222 = tpu.vector_load %arg11[%swap3A_221] {strides = array<i32>} : memref<16xi32, #tpu.memory_space<vmem>>, vector<16xi32>,
      tpu.vector_store %arg11[%swap3A_221], %broadcast_in_dim3A_220 {strides = array<i32>} : memref<16xi32, #tpu.memory_space<vmem>>, vector<16xi32>,
      tpu.vector_store_idx %arg11[%sub3A_218], %masked_sort3A_202 : memref<16xi32, #tpu.memory_space<vmem>>[vector<16xi32>], vector<16xi32>,
      "tpu.region"() ({
        %run_scoped3A = tpu.sem_alloc : memref<!tpu.dma_semaphore, #tpu.memory_space<semaphore_mem>>
        tpu.enqueue_dma source(%arg11 : memref<16xi32, #tpu.memory_space<vmem>>) target(%arg5 : memref<16xi32, #tpu.memory_space<hbm>>) target_semaphore(%run_scoped3A : memref<!tpu.dma_semaphore, #tpu.memory_space<semaphore_mem>>)
        tpu.wait_dma2 semaphore(%run_scoped3A : memref<!tpu.dma_semaphore, #tpu.memory_space<semaphore_mem>>) src(%arg11 : memref<16xi32, #tpu.memory_space<vmem>>) dst(%arg5 : memref<16xi32, #tpu.memory_space<hbm>>)
        tpu.yield
      }) : () -> ()
      "tpu.region"() ({
        %run_scoped3A = tpu.sem_alloc : memref<!tpu.dma_semaphore, #tpu.memory_space<semaphore_mem>>
        tpu.enqueue_dma source(%arg12 : memref<16xi32, #tpu.memory_space<vmem>>) target(%arg6 : memref<16xi32, #tpu.memory_space<hbm>>) target_semaphore(%run_scoped3A : memref<!tpu.dma_semaphore, #tpu.memory_space<semaphore_mem>>)
        tpu.wait_dma2 semaphore(%run_scoped3A : memref<!tpu.dma_semaphore, #tpu.memory_space<semaphore_mem>>) src(%arg12 : memref<16xi32, #tpu.memory_space<vmem>>) dst(%arg6 : memref<16xi32, #tpu.memory_space<hbm>>)
        tpu.yield
      }) : () -> ()
    } else {
    }
    return
  }
}

module attributes {stable_mosaic.version = 14 : i64} {
  func.func @_tc_body(%arg0: i32, %arg1: memref<2048x128xf32, #tpu.memory_space<vmem>>, %arg2: memref<4x128x128xf32, #tpu.memory_space<vmem>>, %arg3: memref<128x128xf32, #tpu.memory_space<vmem>>, %arg4: memref<64x128xi32, #tpu.memory_space<vmem>>, %arg5: memref<1x16xi32, #tpu.memory_space<vmem>>, %arg6: memref<1x16xi32, #tpu.memory_space<vmem>>, %arg7: memref<2048x128xf32, #tpu.memory_space<vmem>>, %arg8: memref<1x1xf32, #tpu.memory_space<vmem>>, %arg9: memref<128x128xf32, #tpu.memory_space<vmem>>, %arg10: memref<1x128xf32, #tpu.memory_space<vmem>>) attributes {dimension_semantics = [#tpu.dimension_semantics<arbitrary>], iteration_bounds = array<i64: 2>, scalar_prefetch = 0 : i64, scratch_operands = 1 : i64, tpu.core_type = #tpu.core_type<tc>, window_params = [{transform_indices = @transform_0, window_bounds = array<i64: 2048, 128>}, {pipeline_mode = #tpu.pipeline_mode<synchronous>, transform_indices = @transform_1, window_bounds = array<i64: 4, 128, 128>}, {pipeline_mode = #tpu.pipeline_mode<synchronous>, transform_indices = @transform_2, window_bounds = array<i64: 128, 128>}, {pipeline_mode = #tpu.pipeline_mode<synchronous>, transform_indices = @transform_3, window_bounds = array<i64: 64, 128>}, {pipeline_mode = #tpu.pipeline_mode<synchronous>, transform_indices = @transform_4, window_bounds = array<i64: 1, 16>}, {pipeline_mode = #tpu.pipeline_mode<synchronous>, transform_indices = @transform_5, window_bounds = array<i64: 1, 16>}, {transform_indices = @transform_6, window_bounds = array<i64: 2048, 128>}, {pipeline_mode = #tpu.pipeline_mode<synchronous>, transform_indices = @transform_7, window_bounds = array<i64: 1, 1>}, {pipeline_mode = #tpu.pipeline_mode<synchronous>, transform_indices = @transform_8, window_bounds = array<i64: 128, 128>}]} {
    %eq3A = arith.constant 0 : i32
    %eq3A_0 = arith.cmpi eq, %arg0, %eq3A : i32
    %convert_element_type3A = arith.extui %eq3A_0 : i1 to i32
    %cond3A = arith.constant 0 : i32
    %cond3A_1 = arith.cmpi ne, %convert_element_type3A, %cond3A : i32
    scf.if %cond3A_1 {
      %iota3A = tpu.iota {dimensions = array<i32: 0>} : vector<16x16xi32>
      %iota3A_20 = tpu.iota {dimensions = array<i32: 1>} : vector<16x16xi32>
      %eq3A_21 = arith.cmpi eq, %iota3A, %iota3A_20 : vector<16x16xi32>
      %convert_element_type3A_22 = arith.extui %eq3A_21 : vector<16x16xi1> to vector<16x16xi32>
      %convert_element_type3A_23 = arith.sitofp %convert_element_type3A_22 : vector<16x16xi32> to vector<16x16xf32>
      %get3A_24 = arith.constant 0 : index
      %get3A_25 = arith.constant 0 : index
      %get3A_26 = vector.load %arg5[%get3A_24, %get3A_25] : memref<1x16xi32, #tpu.memory_space<vmem>>, vector<1x16xi32>
      %convert_element_type3A_27 = arith.sitofp %get3A_26 : vector<1x16xi32> to vector<1x16xf32>
      %get3A_28 = arith.constant 0 : index
      %get3A_29 = arith.constant 0 : index
      %get3A_30 = vector.load %arg6[%get3A_28, %get3A_29] : memref<1x16xi32, #tpu.memory_space<vmem>>, vector<1x16xi32>
      %convert_element_type3A_31 = arith.sitofp %get3A_30 : vector<1x16xi32> to vector<1x16xf32>
      %dot_general3A_32 = arith.constant dense<0.000000e+00> : vector<16x1xf32>
      %dot_general3A_33 = tpu.matmul %convert_element_type3A_23, %convert_element_type3A_31, %dot_general3A_32 {dimension_numbers = #tpu.dot_dimension_numbers<[1], [1], [0], [0], [0, 0, 1, 0], [], []>, precision = #tpu.contract_precision<fp32>, transpose_lhs_hint = false} : vector<16x16xf32>, vector<1x16xf32>, vector<16x1xf32> -> vector<16x1xf32>
      %lt3A = arith.constant 1.280000e+02 : f32
      %lt3A_34 = vector.broadcast %lt3A : f32 to vector<1x16xf32>
      %lt3A_35 = arith.cmpf olt, %convert_element_type3A_27, %lt3A_34 : vector<1x16xf32>
      %convert_element_type3A_36 = arith.extui %lt3A_35 : vector<1x16xi1> to vector<1x16xi32>
      %convert_element_type3A_37 = arith.sitofp %convert_element_type3A_36 : vector<1x16xi32> to vector<1x16xf32>
      %dot_general3A_38 = arith.constant dense<0.000000e+00> : vector<16x1xf32>
      %dot_general3A_39 = tpu.matmul %convert_element_type3A_23, %convert_element_type3A_37, %dot_general3A_38 {dimension_numbers = #tpu.dot_dimension_numbers<[1], [1], [0], [0], [0, 0, 1, 0], [], []>, precision = #tpu.contract_precision<fp32>, transpose_lhs_hint = false} : vector<16x16xf32>, vector<1x16xf32>, vector<16x1xf32> -> vector<16x1xf32>
      %reduce_sum3A_40 = vector.shape_cast %dot_general3A_39 : vector<16x1xf32> to vector<1x16x1xf32>
      %reduce_sum3A_41 = arith.constant dense<0.000000e+00> : vector<1xf32>
      %reduce_sum3A_42 = vector.multi_reduction <add>, %reduce_sum3A_40, %reduce_sum3A_41 [1, 2] : vector<1x16x1xf32> to vector<1xf32>
      %reduce_sum3A_43 = vector.shape_cast %reduce_sum3A_42 : vector<1xf32> to vector<1x1x1xf32>
      %reduce_sum3A_44 = vector.extract %reduce_sum3A_43[0, 0, 0] : f32 from vector<1x1x1xf32>
      %get3A_45 = arith.constant 0 : index
      %get3A_46 = arith.constant 0 : index
      %get3A_47 = vector.load %arg4[%get3A_45, %get3A_46] : memref<64x128xi32, #tpu.memory_space<vmem>>, vector<64x128xi32>
      %convert_element_type3A_48 = arith.sitofp %get3A_47 : vector<64x128xi32> to vector<64x128xf32>
      %slice3A = vector.extract_strided_slice %convert_element_type3A_48 {offsets = [0, 0], sizes = [64, 1], strides = [1, 1]} : vector<64x128xf32> to vector<64x1xf32>
      %ne3A = arith.constant 1.280000e+02 : f32
      %ne3A_49 = vector.broadcast %ne3A : f32 to vector<64x1xf32>
      %ne3A_50 = arith.cmpf one, %slice3A, %ne3A_49 : vector<64x1xf32>
      %convert_element_type3A_51 = arith.extui %ne3A_50 : vector<64x1xi1> to vector<64x1xi32>
      %convert_element_type3A_52 = arith.sitofp %convert_element_type3A_51 : vector<64x1xi32> to vector<64x1xf32>
      %slice3A_53 = vector.extract_strided_slice %slice3A {offsets = [0, 0], sizes = [16, 1], strides = [1, 1]} : vector<64x1xf32> to vector<16x1xf32>
      %slice3A_54 = vector.extract_strided_slice %slice3A {offsets = [16, 0], sizes = [16, 1], strides = [1, 1]} : vector<64x1xf32> to vector<16x1xf32>
      %add3A = arith.addf %slice3A_53, %slice3A_54 : vector<16x1xf32>
      %slice3A_55 = vector.extract_strided_slice %slice3A {offsets = [32, 0], sizes = [16, 1], strides = [1, 1]} : vector<64x1xf32> to vector<16x1xf32>
      %add3A_56 = arith.addf %add3A, %slice3A_55 : vector<16x1xf32>
      %slice3A_57 = vector.extract_strided_slice %slice3A {offsets = [48, 0], sizes = [16, 1], strides = [1, 1]} : vector<64x1xf32> to vector<16x1xf32>
      %add3A_58 = arith.addf %add3A_56, %slice3A_57 : vector<16x1xf32>
      %reduce_sum3A_59 = vector.shape_cast %add3A_58 : vector<16x1xf32> to vector<1x16x1xf32>
      %reduce_sum3A_60 = arith.constant dense<0.000000e+00> : vector<1xf32>
      %reduce_sum3A_61 = vector.multi_reduction <add>, %reduce_sum3A_59, %reduce_sum3A_60 [1, 2] : vector<1x16x1xf32> to vector<1xf32>
      %reduce_sum3A_62 = vector.shape_cast %reduce_sum3A_61 : vector<1xf32> to vector<1x1x1xf32>
      %reduce_sum3A_63 = vector.extract %reduce_sum3A_62[0, 0, 0] : f32 from vector<1x1x1xf32>
      %eq3A_64 = arith.constant 8.192000e+03 : f32
      %eq3A_65 = arith.cmpf oeq, %reduce_sum3A_63, %eq3A_64 : f32
      %convert_element_type3A_66 = arith.extui %eq3A_65 : i1 to i32
      %convert_element_type3A_67 = arith.sitofp %convert_element_type3A_66 : i32 to f32
      %ne3A_68 = arith.constant 5.120000e+02 : f32
      %ne3A_69 = vector.broadcast %ne3A_68 : f32 to vector<16x1xf32>
      %ne3A_70 = arith.cmpf one, %add3A_58, %ne3A_69 : vector<16x1xf32>
      %convert_element_type3A_71 = arith.extui %ne3A_70 : vector<16x1xi1> to vector<16x1xi32>
      %convert_element_type3A_72 = arith.sitofp %convert_element_type3A_71 : vector<16x1xi32> to vector<16x1xf32>
      %concatenate3A = tpu.concatenate %convert_element_type3A_72, %convert_element_type3A_72, %convert_element_type3A_72, %convert_element_type3A_72 in 0 : vector<16x1xf32>, vector<16x1xf32>, vector<16x1xf32>, vector<16x1xf32> -> vector<64x1xf32>
      %mul3A_73 = vector.broadcast %convert_element_type3A_52 : vector<64x1xf32> to vector<64x128xf32>
      %mul3A_74 = arith.mulf %convert_element_type3A_48, %mul3A_73 : vector<64x128xf32>
      %mul3A_75 = vector.broadcast %concatenate3A : vector<64x1xf32> to vector<64x128xf32>
      %mul3A_76 = arith.mulf %mul3A_74, %mul3A_75 : vector<64x128xf32>
      %iota3A_77 = tpu.iota {dimensions = array<i32: 1>} : vector<16x16xi32>
      %convert_element_type3A_78 = arith.sitofp %iota3A_77 : vector<16x16xi32> to vector<16x16xf32>
      %eq3A_79 = vector.broadcast %dot_general3A_33 : vector<16x1xf32> to vector<16x16xf32>
      %eq3A_80 = arith.cmpf oeq, %eq3A_79, %convert_element_type3A_78 : vector<16x16xf32>
      %convert_element_type3A_81 = arith.extui %eq3A_80 : vector<16x16xi1> to vector<16x16xi32>
      %convert_element_type3A_82 = arith.sitofp %convert_element_type3A_81 : vector<16x16xi32> to vector<16x16xf32>
      %iota3A_83 = tpu.iota {dimensions = array<i32: 0>} : vector<128x16xi32>
      %convert_element_type3A_84 = arith.sitofp %iota3A_83 : vector<128x16xi32> to vector<128x16xf32>
      %min3A = arith.constant 1.270000e+02 : f32
      %min3A_85 = vector.broadcast %min3A : f32 to vector<1x16xf32>
      %min3A_86 = arith.minimumf %convert_element_type3A_27, %min3A_85 : vector<1x16xf32>
      %eq3A_87 = vector.broadcast %min3A_86 : vector<1x16xf32> to vector<128x16xf32>
      %eq3A_88 = arith.cmpf oeq, %convert_element_type3A_84, %eq3A_87 : vector<128x16xf32>
      %convert_element_type3A_89 = arith.extui %eq3A_88 : vector<128x16xi1> to vector<128x16xi32>
      %convert_element_type3A_90 = arith.sitofp %convert_element_type3A_89 : vector<128x16xi32> to vector<128x16xf32>
      %get3A_91 = arith.constant 0 : index
      %get3A_92 = arith.constant 0 : index
      %get3A_93 = vector.load %arg3[%get3A_91, %get3A_92] : memref<128x128xf32, #tpu.memory_space<vmem>>, vector<128x128xf32>
      %dot_general3A_94 = arith.constant dense<0.000000e+00> : vector<16x128xf32>
      %dot_general3A_95 = tpu.matmul %convert_element_type3A_90, %get3A_93, %dot_general3A_94 {dimension_numbers = #tpu.dot_dimension_numbers<[0], [0], [1], [1], [0, 1, 1, 1], [], []>, precision = #tpu.contract_precision<fp32>, transpose_lhs_hint = false} : vector<128x16xf32>, vector<128x128xf32>, vector<16x128xf32> -> vector<16x128xf32>
      %get3A_96 = arith.constant 0 : index
      %get3A_97 = arith.constant 0 : index
      %get3A_98 = arith.constant 0 : index
      %get3A_99 = vector.load %arg2[%get3A_96, %get3A_97, %get3A_98] : memref<4x128x128xf32, #tpu.memory_space<vmem>>, vector<1x128x128xf32>
      %get3A_100 = vector.shape_cast %get3A_99 : vector<1x128x128xf32> to vector<128x128xf32>
      %dot_general3A_101 = arith.constant dense<0.000000e+00> : vector<128x128xf32>
      %dot_general3A_102 = tpu.matmul %get3A_93, %get3A_100, %dot_general3A_101 {dimension_numbers = #tpu.dot_dimension_numbers<[1], [0], [0], [1], [0, 0, 1, 1], [], []>, precision = #tpu.contract_precision<fp32>, transpose_lhs_hint = false} : vector<128x128xf32>, vector<128x128xf32>, vector<128x128xf32> -> vector<128x128xf32>
      %get3A_103 = arith.constant 1 : index
      %get3A_104 = arith.constant 0 : index
      %get3A_105 = arith.constant 0 : index
      %get3A_106 = vector.load %arg2[%get3A_103, %get3A_104, %get3A_105] : memref<4x128x128xf32, #tpu.memory_space<vmem>>, vector<1x128x128xf32>
      %get3A_107 = vector.shape_cast %get3A_106 : vector<1x128x128xf32> to vector<128x128xf32>
      %dot_general3A_108 = arith.constant dense<0.000000e+00> : vector<128x128xf32>
      %dot_general3A_109 = tpu.matmul %get3A_93, %get3A_107, %dot_general3A_108 {dimension_numbers = #tpu.dot_dimension_numbers<[1], [0], [0], [1], [0, 0, 1, 1], [], []>, precision = #tpu.contract_precision<fp32>, transpose_lhs_hint = false} : vector<128x128xf32>, vector<128x128xf32>, vector<128x128xf32> -> vector<128x128xf32>
      %get3A_110 = arith.constant 2 : index
      %get3A_111 = arith.constant 0 : index
      %get3A_112 = arith.constant 0 : index
      %get3A_113 = vector.load %arg2[%get3A_110, %get3A_111, %get3A_112] : memref<4x128x128xf32, #tpu.memory_space<vmem>>, vector<1x128x128xf32>
      %get3A_114 = vector.shape_cast %get3A_113 : vector<1x128x128xf32> to vector<128x128xf32>
      %dot_general3A_115 = arith.constant dense<0.000000e+00> : vector<128x128xf32>
      %dot_general3A_116 = tpu.matmul %get3A_93, %get3A_114, %dot_general3A_115 {dimension_numbers = #tpu.dot_dimension_numbers<[1], [0], [0], [1], [0, 0, 1, 1], [], []>, precision = #tpu.contract_precision<fp32>, transpose_lhs_hint = false} : vector<128x128xf32>, vector<128x128xf32>, vector<128x128xf32> -> vector<128x128xf32>
      %get3A_117 = arith.constant 3 : index
      %get3A_118 = arith.constant 0 : index
      %get3A_119 = arith.constant 0 : index
      %get3A_120 = vector.load %arg2[%get3A_117, %get3A_118, %get3A_119] : memref<4x128x128xf32, #tpu.memory_space<vmem>>, vector<1x128x128xf32>
      %get3A_121 = vector.shape_cast %get3A_120 : vector<1x128x128xf32> to vector<128x128xf32>
      %dot_general3A_122 = arith.constant dense<0.000000e+00> : vector<128x128xf32>
      %dot_general3A_123 = tpu.matmul %get3A_93, %get3A_121, %dot_general3A_122 {dimension_numbers = #tpu.dot_dimension_numbers<[1], [0], [0], [1], [0, 0, 1, 1], [], []>, precision = #tpu.contract_precision<fp32>, transpose_lhs_hint = false} : vector<128x128xf32>, vector<128x128xf32>, vector<128x128xf32> -> vector<128x128xf32>
      %concatenate3A_124 = tpu.concatenate %dot_general3A_102, %dot_general3A_109, %dot_general3A_116, %dot_general3A_123 in 0 : vector<128x128xf32>, vector<128x128xf32>, vector<128x128xf32>, vector<128x128xf32> -> vector<512x128xf32>
      %slice3A_125 = vector.extract_strided_slice %mul3A_76 {offsets = [0, 0], sizes = [16, 128], strides = [1, 1]} : vector<64x128xf32> to vector<16x128xf32>
      %slice3A_126 = vector.extract_strided_slice %mul3A_76 {offsets = [16, 0], sizes = [16, 128], strides = [1, 1]} : vector<64x128xf32> to vector<16x128xf32>
      %slice3A_127 = vector.extract_strided_slice %mul3A_76 {offsets = [32, 0], sizes = [16, 128], strides = [1, 1]} : vector<64x128xf32> to vector<16x128xf32>
      %slice3A_128 = vector.extract_strided_slice %mul3A_76 {offsets = [48, 0], sizes = [16, 128], strides = [1, 1]} : vector<64x128xf32> to vector<16x128xf32>
      %concatenate3A_129 = tpu.concatenate %slice3A_125, %slice3A_126, %slice3A_127, %slice3A_128 in 1 : vector<16x128xf32>, vector<16x128xf32>, vector<16x128xf32>, vector<16x128xf32> -> vector<16x512xf32>
      %dot_general3A_130 = arith.constant dense<0.000000e+00> : vector<16x512xf32>
      %dot_general3A_131 = tpu.matmul %convert_element_type3A_82, %concatenate3A_129, %dot_general3A_130 {dimension_numbers = #tpu.dot_dimension_numbers<[1], [0], [0], [1], [0, 0, 1, 1], [], []>, precision = #tpu.contract_precision<fp32>, transpose_lhs_hint = false} : vector<16x16xf32>, vector<16x512xf32>, vector<16x512xf32> -> vector<16x512xf32>
      %mul3A_132 = vector.broadcast %dot_general3A_39 : vector<16x1xf32> to vector<16x512xf32>
      %mul3A_133 = arith.mulf %dot_general3A_131, %mul3A_132 : vector<16x512xf32>
      %dot_general3A_134 = arith.constant dense<0.000000e+00> : vector<16x512xf32>
      %dot_general3A_135 = tpu.matmul %dot_general3A_95, %concatenate3A_124, %dot_general3A_134 {dimension_numbers = #tpu.dot_dimension_numbers<[1], [1], [0], [0], [0, 0, 1, 0], [], []>, precision = #tpu.contract_precision<fp32>, transpose_lhs_hint = false} : vector<16x128xf32>, vector<512x128xf32>, vector<16x512xf32> -> vector<16x512xf32>
      %neg3A = arith.constant 0.000000e+00 : f32
      %neg3A_136 = vector.broadcast %neg3A : f32 to vector<16x512xf32>
      %neg3A_137 = arith.subf %neg3A_136, %dot_general3A_135 : vector<16x512xf32>
      %exp3A = math.exp %neg3A_137 : vector<16x512xf32>
      %add3A_138 = arith.constant 1.000000e+00 : f32
      %add3A_139 = vector.broadcast %add3A_138 : f32 to vector<16x512xf32>
      %add3A_140 = arith.addf %add3A_139, %exp3A : vector<16x512xf32>
      %div3A = arith.constant 1.000000e+00 : f32
      %div3A_141 = vector.broadcast %div3A : f32 to vector<16x512xf32>
      %div3A_142 = arith.divf %div3A_141, %add3A_140 : vector<16x512xf32>
      %mul3A_143 = arith.constant 2.000000e+00 : f32
      %mul3A_144 = vector.broadcast %mul3A_143 : f32 to vector<16x512xf32>
      %mul3A_145 = arith.mulf %mul3A_144, %div3A_142 : vector<16x512xf32>
      %sub3A_146 = arith.constant 1.000000e+00 : f32
      %sub3A_147 = vector.broadcast %sub3A_146 : f32 to vector<16x512xf32>
      %sub3A_148 = arith.subf %sub3A_147, %mul3A_145 : vector<16x512xf32>
      %exp3A_149 = math.exp %sub3A_148 : vector<16x512xf32>
      %add3A_150 = arith.constant 1.000000e+00 : f32
      %add3A_151 = vector.broadcast %add3A_150 : f32 to vector<16x512xf32>
      %add3A_152 = arith.addf %add3A_151, %exp3A_149 : vector<16x512xf32>
      %log3A = math.log %add3A_152 : vector<16x512xf32>
      %mul3A_153 = arith.mulf %mul3A_133, %log3A : vector<16x512xf32>
      %reduce_sum3A_154 = vector.shape_cast %mul3A_153 : vector<16x512xf32> to vector<1x16x512xf32>
      %reduce_sum3A_155 = arith.constant dense<0.000000e+00> : vector<1xf32>
      %reduce_sum3A_156 = vector.multi_reduction <add>, %reduce_sum3A_154, %reduce_sum3A_155 [1, 2] : vector<1x16x512xf32> to vector<1xf32>
      %reduce_sum3A_157 = vector.shape_cast %reduce_sum3A_156 : vector<1xf32> to vector<1x1x1xf32>
      %reduce_sum3A_158 = vector.extract %reduce_sum3A_157[0, 0, 0] : f32 from vector<1x1x1xf32>
      %reduce_sum3A_159 = vector.shape_cast %mul3A_133 : vector<16x512xf32> to vector<1x16x512xf32>
      %reduce_sum3A_160 = arith.constant dense<0.000000e+00> : vector<1xf32>
      %reduce_sum3A_161 = vector.multi_reduction <add>, %reduce_sum3A_159, %reduce_sum3A_160 [1, 2] : vector<1x16x512xf32> to vector<1xf32>
      %reduce_sum3A_162 = vector.shape_cast %reduce_sum3A_161 : vector<1xf32> to vector<1x1x1xf32>
      %reduce_sum3A_163 = vector.extract %reduce_sum3A_162[0, 0, 0] : f32 from vector<1x1x1xf32>
      %dot_general3A_164 = arith.constant dense<0.000000e+00> : vector<16x128xf32>
      %dot_general3A_165 = tpu.matmul %mul3A_133, %concatenate3A_124, %dot_general3A_164 {dimension_numbers = #tpu.dot_dimension_numbers<[1], [0], [0], [1], [0, 0, 1, 1], [], []>, precision = #tpu.contract_precision<fp32>, transpose_lhs_hint = false} : vector<16x512xf32>, vector<512x128xf32>, vector<16x128xf32> -> vector<16x128xf32>
      %reduce_sum3A_166 = arith.constant dense<0.000000e+00> : vector<16xf32>
      %reduce_sum3A_167 = vector.multi_reduction <add>, %mul3A_133, %reduce_sum3A_166 [1] : vector<16x512xf32> to vector<16xf32>
      %broadcast_in_dim3A_168 = vector.shape_cast %reduce_sum3A_167 : vector<16xf32> to vector<16x1xf32>
      %gt3A = arith.constant 0.000000e+00 : f32
      %gt3A_169 = vector.broadcast %gt3A : f32 to vector<16x1xf32>
      %gt3A_170 = arith.cmpf ogt, %broadcast_in_dim3A_168, %gt3A_169 : vector<16x1xf32>
      %jit3A = arith.constant 1.000000e+00 : f32
      %broadcast_in_dim3A_171 = vector.broadcast %jit3A : f32 to vector<16x1xf32>
      %select_n3A = arith.select %gt3A_170, %broadcast_in_dim3A_168, %broadcast_in_dim3A_171 : vector<16x1xi1>, vector<16x1xf32>
      %mul3A_172 = arith.constant 5.000000e-01 : f32
      %mul3A_173 = vector.broadcast %mul3A_172 : f32 to vector<16x128xf32>
      %mul3A_174 = arith.mulf %mul3A_173, %dot_general3A_95 : vector<16x128xf32>
      %mul3A_175 = arith.constant 5.000000e-01 : f32
      %mul3A_176 = vector.broadcast %mul3A_175 : f32 to vector<16x128xf32>
      %mul3A_177 = arith.mulf %mul3A_176, %dot_general3A_165 : vector<16x128xf32>
      %div3A_178 = vector.broadcast %select_n3A : vector<16x1xf32> to vector<16x128xf32>
      %div3A_179 = arith.divf %mul3A_177, %div3A_178 : vector<16x128xf32>
      %add3A_180 = arith.addf %mul3A_174, %div3A_179 : vector<16x128xf32>
      %gt3A_181 = arith.constant 0.000000e+00 : f32
      %gt3A_182 = vector.broadcast %gt3A_181 : f32 to vector<16x1xf32>
      %gt3A_183 = arith.cmpf ogt, %broadcast_in_dim3A_168, %gt3A_182 : vector<16x1xf32>
      %broadcast_in_dim3A_184 = vector.shape_cast %gt3A_183 : vector<16x1xi1> to vector<16x1xi1>
      %broadcast_in_dim3A_185 = vector.broadcast %broadcast_in_dim3A_184 : vector<16x1xi1> to vector<16x128xi1>
      %select_n3A_186 = arith.select %broadcast_in_dim3A_185, %add3A_180, %dot_general3A_95 : vector<16x128xi1>, vector<16x128xf32>
      %sub3A_187 = arith.subf %select_n3A_186, %dot_general3A_95 : vector<16x128xf32>
      %mul3A_188 = vector.broadcast %dot_general3A_39 : vector<16x1xf32> to vector<16x128xf32>
      %mul3A_189 = arith.mulf %sub3A_187, %mul3A_188 : vector<16x128xf32>
      %sub3A_190 = arith.constant 1.000000e+00 : f32
      %sub3A_191 = arith.subf %sub3A_190, %convert_element_type3A_67 : f32
      %mul3A_192 = vector.broadcast %sub3A_191 : f32 to vector<16x128xf32>
      %mul3A_193 = arith.mulf %mul3A_189, %mul3A_192 : vector<16x128xf32>
      %iota3A_194 = tpu.iota {dimensions = array<i32: 0>} : vector<128x16xi32>
      %convert_element_type3A_195 = arith.sitofp %iota3A_194 : vector<128x16xi32> to vector<128x16xf32>
      %eq3A_196 = vector.broadcast %convert_element_type3A_27 : vector<1x16xf32> to vector<128x16xf32>
      %eq3A_197 = arith.cmpf oeq, %convert_element_type3A_195, %eq3A_196 : vector<128x16xf32>
      %convert_element_type3A_198 = arith.extui %eq3A_197 : vector<128x16xi1> to vector<128x16xi32>
      %convert_element_type3A_199 = arith.sitofp %convert_element_type3A_198 : vector<128x16xi32> to vector<128x16xf32>
      %dot_general3A_200 = arith.constant dense<0.000000e+00> : vector<128x128xf32>
      %dot_general3A_201 = tpu.matmul %convert_element_type3A_199, %mul3A_193, %dot_general3A_200 {dimension_numbers = #tpu.dot_dimension_numbers<[1], [0], [0], [1], [0, 0, 1, 1], [], []>, precision = #tpu.contract_precision<fp32>, transpose_lhs_hint = false} : vector<128x16xf32>, vector<16x128xf32>, vector<128x128xf32> -> vector<128x128xf32>
      %add3A_202 = arith.addf %get3A_93, %dot_general3A_201 : vector<128x128xf32>
      %swap3A_203 = arith.constant 0 : index
      %swap3A_204 = arith.constant 0 : index
      %swap3A_205 = vector.load %arg9[%swap3A_203, %swap3A_204] : memref<128x128xf32, #tpu.memory_space<vmem>>, vector<128x128xf32>
      tpu.vector_store %arg9[%swap3A_203, %swap3A_204], %add3A_202 {strides = array<i32>} : memref<128x128xf32, #tpu.memory_space<vmem>>, vector<128x128xf32>,
      %mul3A_206 = arith.constant 5.120000e+02 : f32
      %mul3A_207 = arith.mulf %reduce_sum3A_44, %mul3A_206 : f32
      %sub3A_208 = arith.constant 1.000000e+00 : f32
      %sub3A_209 = arith.subf %sub3A_208, %convert_element_type3A_67 : f32
      %sub3A_210 = arith.subf %mul3A_207, %reduce_sum3A_163 : f32
      %mul3A_211 = arith.constant 0.693147182 : f32
      %mul3A_212 = arith.mulf %sub3A_210, %mul3A_211 : f32
      %add3A_213 = arith.addf %reduce_sum3A_158, %mul3A_212 : f32
      %div3A_214 = arith.divf %add3A_213, %mul3A_207 : f32
      %mul3A_215 = arith.mulf %sub3A_209, %div3A_214 : f32
      %broadcast_in_dim3A_216 = vector.broadcast %mul3A_215 : f32 to vector<1x1xf32>
      %swap3A_217 = arith.constant 0 : index
      %swap3A_218 = arith.constant 0 : index
      %swap3A_219 = vector.load %arg8[%swap3A_217, %swap3A_218] : memref<1x1xf32, #tpu.memory_space<vmem>>, vector<1x1xf32>
      tpu.vector_store %arg8[%swap3A_217, %swap3A_218], %broadcast_in_dim3A_216 {strides = array<i32>} : memref<1x1xf32, #tpu.memory_space<vmem>>, vector<1x1xf32>,
      %broadcast_in_dim3A_220 = arith.constant 1.000000e+00 : f32
      %broadcast_in_dim3A_221 = vector.broadcast %broadcast_in_dim3A_220 : f32 to vector<1x128xf32>
      %mul3A_222 = arith.mulf %add3A_202, %add3A_202 : vector<128x128xf32>
      %dot_general3A_223 = arith.constant dense<0.000000e+00> : vector<1x128xf32>
      %dot_general3A_224 = tpu.matmul %broadcast_in_dim3A_221, %mul3A_222, %dot_general3A_223 {dimension_numbers = #tpu.dot_dimension_numbers<[1], [1], [0], [0], [0, 0, 1, 0], [], []>, precision = #tpu.contract_precision<fp32>, transpose_lhs_hint = false} : vector<1x128xf32>, vector<128x128xf32>, vector<1x128xf32> -> vector<1x128xf32>
      %swap3A_225 = arith.constant 0 : index
      %swap3A_226 = arith.constant 0 : index
      %swap3A_227 = vector.load %arg10[%swap3A_225, %swap3A_226] : memref<1x128xf32, #tpu.memory_space<vmem>>, vector<1x128xf32>
      tpu.vector_store %arg10[%swap3A_225, %swap3A_226], %dot_general3A_224 {strides = array<i32>} : memref<1x128xf32, #tpu.memory_space<vmem>>, vector<1x128xf32>,
    } else {
    }
    %get3A = arith.constant 0 : index
    %get3A_2 = arith.constant 0 : index
    %get3A_3 = vector.load %arg1[%get3A, %get3A_2] : memref<2048x128xf32, #tpu.memory_space<vmem>>, vector<2048x128xf32>
    %mul3A = arith.mulf %get3A_3, %get3A_3 : vector<2048x128xf32>
    %reduce_sum3A = arith.constant dense<0.000000e+00> : vector<2048xf32>
    %reduce_sum3A_4 = vector.multi_reduction <add>, %mul3A, %reduce_sum3A [1] : vector<2048x128xf32> to vector<2048xf32>
    %broadcast_in_dim3A = vector.shape_cast %reduce_sum3A_4 : vector<2048xf32> to vector<2048x1xf32>
    %get3A_5 = arith.constant 0 : index
    %get3A_6 = arith.constant 0 : index
    %get3A_7 = vector.load %arg9[%get3A_5, %get3A_6] : memref<128x128xf32, #tpu.memory_space<vmem>>, vector<128x128xf32>
    %dot_general3A = arith.constant dense<0.000000e+00> : vector<2048x128xf32>
    %dot_general3A_8 = tpu.matmul %get3A_3, %get3A_7, %dot_general3A {dimension_numbers = #tpu.dot_dimension_numbers<[1], [1], [0], [0], [0, 0, 1, 0], [], []>, precision = #tpu.contract_precision<fp32>, transpose_lhs_hint = false} : vector<2048x128xf32>, vector<128x128xf32>, vector<2048x128xf32> -> vector<2048x128xf32>
    %mul3A_9 = arith.constant 2.000000e+00 : f32
    %mul3A_10 = vector.broadcast %mul3A_9 : f32 to vector<2048x128xf32>
    %mul3A_11 = arith.mulf %mul3A_10, %dot_general3A_8 : vector<2048x128xf32>
    %sub3A = vector.broadcast %broadcast_in_dim3A : vector<2048x1xf32> to vector<2048x128xf32>
    %sub3A_12 = arith.subf %mul3A_11, %sub3A : vector<2048x128xf32>
    %get3A_13 = arith.constant 0 : index
    %get3A_14 = arith.constant 0 : index
    %get3A_15 = vector.load %arg10[%get3A_13, %get3A_14] : memref<1x128xf32, #tpu.memory_space<vmem>>, vector<1x128xf32>
    %sub3A_16 = vector.broadcast %get3A_15 : vector<1x128xf32> to vector<2048x128xf32>
    %sub3A_17 = arith.subf %sub3A_12, %sub3A_16 : vector<2048x128xf32>
    %swap3A = arith.constant 0 : index
    %swap3A_18 = arith.constant 0 : index
    %swap3A_19 = vector.load %arg7[%swap3A, %swap3A_18] : memref<2048x128xf32, #tpu.memory_space<vmem>>, vector<2048x128xf32>
    tpu.vector_store %arg7[%swap3A, %swap3A_18], %sub3A_17 {strides = array<i32>} : memref<2048x128xf32, #tpu.memory_space<vmem>>, vector<2048x128xf32>,
    return
  }
  func.func @transform_0(%arg0: i32) -> (i32, i32) {
    %c0_i32 = arith.constant 0 : i32
    %c0_i32_0 = arith.constant 0 : i32
    return %arg0, %c0_i32 : i32, i32
  }
  func.func @transform_1(%arg0: i32) -> (i32, i32, i32) {
    %c0_i32 = arith.constant 0 : i32
    %c0_i32_0 = arith.constant 0 : i32
    %c0_i32_1 = arith.constant 0 : i32
    %c0_i32_2 = arith.constant 0 : i32
    return %c0_i32, %c0_i32_0, %c0_i32_1 : i32, i32, i32
  }
  func.func @transform_2(%arg0: i32) -> (i32, i32) {
    %c0_i32 = arith.constant 0 : i32
    %c0_i32_0 = arith.constant 0 : i32
    %c0_i32_1 = arith.constant 0 : i32
    return %c0_i32, %c0_i32_0 : i32, i32
  }
  func.func @transform_3(%arg0: i32) -> (i32, i32) {
    %c0_i32 = arith.constant 0 : i32
    %c0_i32_0 = arith.constant 0 : i32
    %c0_i32_1 = arith.constant 0 : i32
    return %c0_i32, %c0_i32_0 : i32, i32
  }
  func.func @transform_4(%arg0: i32) -> (i32, i32) {
    %c0_i32 = arith.constant 0 : i32
    %c0_i32_0 = arith.constant 0 : i32
    %c0_i32_1 = arith.constant 0 : i32
    return %c0_i32, %c0_i32_0 : i32, i32
  }
  func.func @transform_5(%arg0: i32) -> (i32, i32) {
    %c0_i32 = arith.constant 0 : i32
    %c0_i32_0 = arith.constant 0 : i32
    %c0_i32_1 = arith.constant 0 : i32
    return %c0_i32, %c0_i32_0 : i32, i32
  }
  func.func @transform_6(%arg0: i32) -> (i32, i32) {
    %c0_i32 = arith.constant 0 : i32
    %c0_i32_0 = arith.constant 0 : i32
    return %arg0, %c0_i32 : i32, i32
  }
  func.func @transform_7(%arg0: i32) -> (i32, i32) {
    %c0_i32 = arith.constant 0 : i32
    %c0_i32_0 = arith.constant 0 : i32
    %c0_i32_1 = arith.constant 0 : i32
    return %c0_i32, %c0_i32_0 : i32, i32
  }
  func.func @transform_8(%arg0: i32) -> (i32, i32) {
    %c0_i32 = arith.constant 0 : i32
    %c0_i32_0 = arith.constant 0 : i32
    %c0_i32_1 = arith.constant 0 : i32
    return %c0_i32, %c0_i32_0 : i32, i32
  }
}

</mosaic_0001>

<sc_bundles>
// kernel: _run.4.cloned.1.call-start
scs
__scs_entry_jumppad:
0x0: {  	(pc) =	sbr.rel $0x88, $3  }
0x1: {  	(tag) =	ssettag $0x0;
	lr =	simm.s32 $0x1  }
0x2: {  	[smem:$0x3F9C] =	sst lr;
	_ =	strace $0xD0000000  }
0x3: {  	_ = 	snop  }
0x4: {  	_ = 	snop  }
0x5: {  	_ = 	snop  }
0x6: {  	_ = 	snop  }
0x7: {  	_ = 	snop  }
__scs_overlays_trampoline_lowered:
0x8: {  	[smem:$0x3FAB] =	sst s0  }
0x9: {  	[smem:$0x3FAC] =	sst s1  }
0xa: {  	[smem:$0x3FAD] =	sst s2  }
0xb: {  	[smem:$0x3FAE] =	sst s3  }
0xc: {  	[smem:$0x3FAF] =	sst s4  }
0xd: {  	[smem:$0x3FB0] =	sst s5  }
0xe: {  	[smem:$0x3FB1] =	sst s6  }
0xf: {  	[smem:$0x3FB2] =	sst s7  }
0x10: {  	[smem:$0x3FB3] =	sst s8  }
0x11: {  	[smem:$0x3FB4] =	sst s9;
	s0 =	simm.s32 @!p0 $0x0  }
0x12: {  	s1 =	sld [smem:$0x3F9A];
	s0 =	simm.s32 @p0 $0x1  }
0x13: {  	[smem:$0x3FB5] =	sst s0;
	s0 =	simm.s32 @!p1 $0x0  }
0x14: {  	s2 =	sld [smem:$0x3F99];
	s0 =	simm.s32 @p1 $0x1  }
0x15: {  	[smem:$0x3FB6] =	sst s0;
	s0 =	simm.s32 @!p2 $0x0  }
0x16: {  	s3 =	sld [smem:$0x3FDB];
	s0 =	simm.s32 @p2 $0x1  }
0x17: {  	s4 =	simm.s32 $0x1BF5;
	[smem:$0x3FB8] =	sst s0  }
0x18: {  	s0 =	sld [smem:$0x3F9B];
	_ =	swait.ge [sflag:s4], $0x0  }
0x19: {  	s7 =	sld [smem:$0x3F9C]  }
0x1a: {  	s8 =	sadd.s32 $0xFFFFE003, lr  }
0x1b: {  	s9 =	sadd.s32 $0xFFFFFEF7, lr;
	s5 =	simm.s32 $0xFFFFFFFF;
	p2 =	slt.u32 s8, $0xFFFFF086  }
0x1c: {  	p1 =	slt.u32 s9, $0xF7A;
	s5 =	simm.s32 @!p2 $0x0  }
0x1d: {  	s5 =	simm.s32 @p1 $0x1;
	p0 =	seq.s32 s7, s2  }
0x1e: {  	s7 =	smul.u32 @!p0 $0xF7A, s2;
	p2 =	seq.s32 @!p0 s5, $0x0  }
0x1f: {  	s9 =	smul.u32 $0xF7A, s1;
	s8 =	simm.s32 @!p0 $0x1BF5;
	p2 =	por !p2, p0  }
0x20: {  	[sflag:s8] =	ssyncset.s32 @!p0 $0xFFFFF086;
	s6 =	sadd.s32 @!p0 s3, s7;
	s7 =	simm.s32 @!p0 $0x108  }
0x21: {  	s3 =	sadd.s32 s3, s9;
	s6 =	sadd.s32 @!p0 $0x88, s6;
	s7 =	simm.s32 @p2 $0x1082  }
0x22: {  	[simem:s7], [sflag:s8] =	dma.local @!p0 [hbm:s6], $0xF7A  }
0x23: {  	s9 =	sor.u32 $0xD0000000, s2;
	s6 =	simm.s32 $0x108;
	_ =	swait.ge @!p0 [sflag:s8], $0x0  }
0x24: {  	s3 =	sadd.s32 $0x88, s3;
	s6 =	simm.s32 @!p1 $0x1082;
	[sflag:s4] =	ssyncset.s32 $0xFFFFF086  }
0x25: {  	[simem:s6], [sflag:s4] =	dma.local [hbm:s3], $0xF7A  }
0x26: {  	[smem:$0x3F9C] =	sst s1;
	(tag) =	ssettag s2;
	_ =	strace s9  }
0x27: {  	s1 =	sld [smem:$0x3FAC]  }
0x28: {  	s2 =	sld [smem:$0x3FAD]  }
0x29: {  	s4 =	sld [smem:$0x3FAF]  }
0x2a: {  	p0 =	seq.s32 s5, $0x0;
	s5 =	sld [smem:$0x3FB0]  }
0x2b: {  	s6 =	sld [smem:$0x3FB1]  }
0x2c: {  	s7 =	sld [smem:$0x3FB2]  }
0x2d: {  	s3 =	simm.s32 $0x108;
	s8 =	sld [smem:$0x3FB3]  }
0x2e: {  	s3 =	simm.s32 @!p0 $0x1082;
	s9 =	sld [smem:$0x3FB4]  }
0x2f: {  	lr =	sadd.s32 s0, s3;
	s0 =	sld [smem:$0x3FAB]  }
0x30: {  	s3 =	sld [smem:$0x3FAE]  }
0x31: {  	[smem:$0x3FB7] =	sst s10  }
0x32: {  	s10 =	sld [smem:$0x3FB5];
	_ =	sdelay $0x3  }
0x33: {  	p0 =	seq.s32 s10, $0x1;
	s10 =	sld [smem:$0x3FB7];
	_ =	sdelay $0x3  }
0x34: {  	[smem:$0x3FB7] =	sst s10  }
0x35: {  	s10 =	sld [smem:$0x3FB6];
	_ =	sdelay $0x3  }
0x36: {  	p1 =	seq.s32 s10, $0x1;
	s10 =	sld [smem:$0x3FB7];
	_ =	sdelay $0x3  }
0x37: {  	[smem:$0x3FB7] =	sst s10  }
0x38: {  	s10 =	sld [smem:$0x3FB8]  }
0x39: {  	_ = 	snop;
	(pc) =	sbr.ind lr, $3  }
0x3a: {  	_ = 	snop  }
0x3b: {  	_ = 	snop  }
0x3c: {  	p2 =	seq.s32 s10, $0x1;
	s10 =	sld [smem:$0x3FB7]  }
0x3d: {  	_ =	shalt  }
0x3e: {  	_ =	shalt  }
0x3f: {  	_ =	shalt  }
0x40: {  	_ =	shalt  }
0x41: {  	_ =	shalt  }
0x42: {  	_ =	shalt  }
0x43: {  	_ =	shalt  }
0x44: {  	_ =	shalt  }
0x45: {  	_ =	shalt  }
0x46: {  	_ =	shalt  }
0x47: {  	_ =	shalt  }
0x48: {  	_ =	shalt  }
0x49: {  	_ =	shalt  }
0x4a: {  	_ =	shalt  }
0x4b: {  	_ =	shalt  }
0x4c: {  	_ =	shalt  }
0x4d: {  	_ =	shalt  }
0x4e: {  	_ =	shalt  }
0x4f: {  	_ =	shalt  }
0x50: {  	_ =	shalt  }
0x51: {  	_ =	shalt  }
0x52: {  	_ =	shalt  }
0x53: {  	_ =	shalt  }
0x54: {  	_ =	shalt  }
0x55: {  	_ =	shalt  }
0x56: {  	_ =	shalt  }
0x57: {  	_ =	shalt  }
0x58: {  	_ =	shalt  }
0x59: {  	_ =	shalt  }
0x5a: {  	_ =	shalt  }
0x5b: {  	_ =	shalt  }
0x5c: {  	_ =	shalt  }
0x5d: {  	_ =	shalt  }
0x5e: {  	_ =	shalt  }
0x5f: {  	_ =	shalt  }
0x60: {  	_ =	shalt  }
0x61: {  	_ =	shalt  }
0x62: {  	_ =	shalt  }
0x63: {  	_ =	shalt  }
0x64: {  	_ =	shalt  }
0x65: {  	_ =	shalt  }
0x66: {  	_ =	shalt  }
0x67: {  	_ =	shalt  }
0x68: {  	_ =	shalt  }
0x69: {  	_ =	shalt  }
0x6a: {  	_ =	shalt  }
0x6b: {  	_ =	shalt  }
0x6c: {  	_ =	shalt  }
0x6d: {  	_ =	shalt  }
0x6e: {  	_ =	shalt  }
0x6f: {  	_ =	shalt  }
0x70: {  	_ =	shalt  }
0x71: {  	_ =	shalt  }
0x72: {  	_ =	shalt  }
0x73: {  	_ =	shalt  }
0x74: {  	_ =	shalt  }
0x75: {  	_ =	shalt  }
0x76: {  	_ =	shalt  }
0x77: {  	_ =	shalt  }
0x78: {  	_ =	shalt  }
0x79: {  	_ =	shalt  }
0x7a: {  	_ =	shalt  }
0x7b: {  	_ =	shalt  }
0x7c: {  	_ =	shalt  }
0x7d: {  	_ =	shalt  }
0x7e: {  	_ =	shalt  }
0x7f: {  	_ =	shalt  }
0x80: {  	_ =	shalt  }
0x81: {  	_ =	shalt  }
0x82: {  	_ =	shalt  }
0x83: {  	_ =	shalt  }
0x84: {  	_ =	shalt  }
0x85: {  	_ =	shalt  }
0x86: {  	_ =	shalt  }
0x87: {  	_ =	shalt  }
.Lfunc_end0:
.L_simem_size_0:
called_computation_lowered:
.L_overlay_start_0:
0x88: {  	s0 =	sld [smem:$0x3FD9]  }
0x89: {  	s1 =	sld [smem:$0x3FFE];
	_ =	sdelay $0x3  }
0x8a: {  	s0 =	sadd.s32 s1, s0  }
0x8b: {  	[smem:$0x3FC3] =	sst s0  }
0x8c: {  	_ = 	snop  }
0x8d: {  	s0 =	sld [smem:$0x3FD0];
	_ =	sdelay $0x1  }
0x8e: {  	s14 =	sld [smem:$0x3FC6]  }
0x8f: {  	s3 =	simm.s32 $0xA;
	s4 =	simm.s32 $0x10;
	s2 =	sld [smem:$0x3FC5]  }
0x90: {  	[smem:s4], [sflag:s3] =	dma.local [hbm:s0], $0x1  }
0x91: {  	_ =	swait.eq [sflag:s3], $0x1  }
0x92: {  	s15 =	sld [smem:$0x10];
	[sflag:s3] =	ssyncset.done $0x0  }
0x93: {  	s16 =	sld [smem:$0x11];
	[sflag:s3] =	ssyncadd.s32 $0xFFFFFFFF  }
0x94: {  	s17 =	sld [smem:$0x12];
	(tm) =	ssettm $0x1  }
0x95: {  	s5 =	sld [smem:$0x3FFB];
	_ =	sdelay $0x3  }
0x96: {  	_ =	strace s5  }
0x97: {  	s5 =	sld [smem:$0x3FFC];
	_ =	sdelay $0x3  }
0x98: {  	_ =	strace s5  }
0x99: {  	s5 =	sld [smem:$0x3FFD];
	_ =	sdelay $0x3  }
0x9a: {  	_ =	strace s5  }
0x9b: {  	_ =	strace $0x8FFFFFFF  }
0x9c: {  	s18 =	sld [smem:$0x3FDB];
	_ =	sdelay $0x1  }
0x9d: {  	s6 =	simm.s32 $_scs_section_size  }
0x9e: {  	s7 =	simm.s32 $_size__tile_overlayer_lowered;
	s8 =	simm.s32 $_tile_overlayer_lowered  }
0x9f: {  	s21 =	simm.s32 $0x1BFF;
	s20 =	sshll.u32 s8, $0x1;
	s5 =	sadd.s32 s6, s18  }
0xa0: {  	s9 =	simm.s32 $0x0;
	s19 =	sshll.u32 s7, $0x1;
	s7 =	sadd.s32 s20, s5  }
0xa1: {  	[timem:s9], [sflag:s21] =	dma.local [hbm:s7], s19  }
0xa2: {  	_ =	swait.ge [sflag:s21], s19  }
0xa3: {  	s6 =	ssub.s32 $0x0, s19;
	[sflag:s21] =	ssyncset.done $0x0  }
0xa4: {  	[sflag:s21] =	ssyncadd.s32 s6;
	_ =	sdelay $0x1  }
0xa5: {  	s22 =	simm.s32 $0x1B8B  }
0xa6: {  	_ =	swait.ge [sflag:s22], $0x1  }
0xa7: {  	[sflag:s22] =	ssyncset.done $0x0  }
0xa8: {  	s23 =	simm.s32 $0x1B8E;
	[sflag:s22] =	ssyncadd.s32 $0xFFFFFFFF  }
0xa9: {  	s24 =	simm.s32 $execute0_lowered;
	[smem:$0x3FD2] =	sst s23  }
0xaa: {  	s6 =	sshll.u32 s24, $0x1;
	_ =	strace $0x80000046;
	[dreg:$0x1] =	wrdreg $0xFFFFFFFF  }
0xab: {  	s25 =	simm.s32 $_size_execute0_lowered;
	s5 =	sadd.s32 s5, s6;
	[dreg:$0x0] =	wrdreg $0x0  }
0xac: {  	s6 =	sshll.u32 s25, $0x1;
	[dreg:$0x2] =	wrdreg s5  }
0xad: {  	[dreg:$0x3] =	wrdreg s6  }
0xae: {  	[dreg:$0x4] =	wrdreg $0xC0  }
0xaf: {  	_ =	task [dreg:s9], $0x5FFFF  }
0xb0: {  	[dreg:$0x1] =	wrdreg $0xFFFFFFFF  }
0xb1: {  	[dreg:$0x0] =	wrdreg $0x60  }
0xb2: {  	[dreg:$0x2] =	wrdreg s14  }
0xb3: {  	[dreg:$0x3] =	wrdreg s2  }
0xb4: {  	[dreg:$0x4] =	wrdreg s17  }
0xb5: {  	[dreg:$0x5] =	wrdreg s16  }
0xb6: {  	[dreg:$0x6] =	wrdreg s15  }
0xb7: {  	[dreg:$0x7] =	wrdreg $0x9  }
0xb8: {  	_ =	task.clear_ibuf [dreg:s9], $0x8FFFF;
	_ =	strace $0x90000046  }
0xb9: {  	s26 =	simm.s32 $0x9;
	_ =	strace $0x80000048  }
0xba: {  	_ =	swait.ge [sflag:s26], $0x1  }
0xbb: {  	[sflag:s26] =	ssyncadd.s32 $0xFFFFFFFF  }
0xbc: {  	_ =	strace $0x90000048  }
0xbd: {  	_ =	sfence  }
0xbe: {  	s28 =	sld [smem:$0x0];
	_ =	sdelay $0x1  }
0xbf: {  	s29 =	srdreg.scid  }
0xc0: {  	s30 =	sshll.u32 s29, $0xD;
	s31 =	sshrl.u32 s29, $0x2  }
0xc1: {  	s1 =	sand.u32 $0x1, s29;
	s2 =	sand.u32 $0x4000, s30;
	s0 =	sadd.s32 s31, s28  }
0xc2: {  	s1 =	sor.u32 s2, s1;
	s0 =	sshll.u32 s0, $0x11  }
0xc3: {  	s0 =	sor.u32 s0, s1  }
0xc4: {  	s0 =	sadd.s32 $0x8F2B, s0  }
0xc5: {  	[sflag:s0] =	ssyncadd.remote.s32 $0x1  }
0xc6: {  	_ =	sfence.sel $0xFFFF  }
0xc7: {  	[dreg:$0x0] =	wrdreg $0xFFFFFFFF;
	(pc) =	sbr.abs _section_cstart, $3  }
0xc8: {  	[dreg:$0x1] =	wrdreg $0xFFFFFFFF  }
0xc9: {  	_ =	task.clear_ibuf [dreg:s9], $0x2FFFF;
	_ =	strace $0x9FFFFFFF  }
0xca: {  	(tm) =	ssettm $0x7FFFFFFF  }
0xcb: {  	_ =	shalt  }
tec
execute0_lowered:
.L_overlay_start_1:
0x0: {  	(tag) =	ssettag $0x1  }
0x1: {  	s7 =	rddreg [dreg:$0x0]  }
0x2: {  	s3 =	rddreg [dreg:$0x1]  }
0x3: {  	s5 =	rddreg [dreg:$0x2]  }
0x4: {  	s2 =	rddreg [dreg:$0x3]  }
0x5: {  	s1 =	rddreg [dreg:$0x4]  }
0x6: {  	s0 =	rddreg [dreg:$0x5];
	s6 =	simm.s32 $0x0;
	s4 =	stileid.u32  }
0x7: {  	[smem:$0x7FF] =	sst s6;
	s8 =	sshll.u32 s4, $0x6  }
0x8: {  	s31 =	simm.s32 $0x1;
	_ =	strace $0x80000047;
	s7 =	sadd.s32 s7, s8  }
0x9: {  	[tilespmem:s6], [sflag:$0x1] =	stream.linear.gather [hbm4b:s7+s6], $0x200, $0x38;
	[tilespmem:$0x600] =	vst v63  }
0xa: {  	_ =	swait.ge [sflag:s31], $0x200  }
0xb: {  	[sflag:s31] =	ssyncset.done $0x0  }
0xc: {  	v0 =	vimm.s32 $0x0;
	[sflag:s31] =	ssyncadd.s32 $0xFFFFFE00  }
0xd: {  	[tilespmem:$0x200] =	vst v0  }
0xe: {  	[tilespmem:$0x210] =	vst v0  }
0xf: {  	[tilespmem:$0x220] =	vst v0  }
0x10: {  	[tilespmem:$0x230] =	vst v0  }
0x11: {  	[tilespmem:$0x240] =	vst v0  }
0x12: {  	[tilespmem:$0x250] =	vst v0  }
0x13: {  	[tilespmem:$0x260] =	vst v0  }
0x14: {  	[tilespmem:$0x270] =	vst v0  }
0x15: {  	[tilespmem:$0x280] =	vst v0  }
0x16: {  	[tilespmem:$0x290] =	vst v0  }
0x17: {  	[tilespmem:$0x2A0] =	vst v0  }
0x18: {  	[tilespmem:$0x2B0] =	vst v0  }
0x19: {  	[tilespmem:$0x2C0] =	vst v0  }
0x1a: {  	[tilespmem:$0x2D0] =	vst v0  }
0x1b: {  	[tilespmem:$0x2E0] =	vst v0  }
0x1c: {  	[tilespmem:$0x2F0] =	vst v0  }
0x1d: {  	[tilespmem:$0x300] =	vst v0  }
0x1e: {  	[tilespmem:$0x310] =	vst v0  }
0x1f: {  	[tilespmem:$0x320] =	vst v0  }
0x20: {  	[tilespmem:$0x330] =	vst v0  }
0x21: {  	[tilespmem:$0x340] =	vst v0  }
0x22: {  	[tilespmem:$0x350] =	vst v0  }
0x23: {  	[tilespmem:$0x360] =	vst v0  }
0x24: {  	[tilespmem:$0x370] =	vst v0  }
0x25: {  	[tilespmem:$0x380] =	vst v0  }
0x26: {  	[tilespmem:$0x390] =	vst v0  }
0x27: {  	[tilespmem:$0x3A0] =	vst v0  }
0x28: {  	[tilespmem:$0x3B0] =	vst v0  }
0x29: {  	[tilespmem:$0x3C0] =	vst v0  }
0x2a: {  	[tilespmem:$0x3D0] =	vst v0  }
0x2b: {  	[tilespmem:$0x3E0] =	vst v0  }
0x2c: {  	[tilespmem:$0x3F0] =	vst v0  }
0x2d: {  	s9 =	simm.s32 $0x0;
	s8 =	simm.s32 $0x10;
	s7 =	simm.s32 $0x200;
	v0 =	vld [tilespmem:s6+$0x0]  }
.LBB2_1:
0x2e: {  	p0 =	sne.s32 s8, $0x1F0;
	_ =	sdelay $0x3  }
0x2f: {  	vm0 =	vlt.s32 v0, $0x80  }
0x30: {  	(xrf1) =	vunique.msk.u32 vm0, v0;
	_ =	sdelay $0xd  }
0x31: {  	s10 =	sand.u32 $0x180, s6;
	s6 =	smov.u32 s8;
	_, v1, vm0 =	vpop (xrf1)  }
0x32: {  	v0 =	vadd.s32 s10, v0;
	_ =	sdelay $0x1  }
.Ltmp0:
0x33: {  	(pc) =	sbr.rel @p0 .LBB2_1-.Ltmp0, $3  }
0x34: {  	_ =	sdelay $0x1  }
0x35: {  	s9 =	sadd.s32 $0x10, s9;
	[tilespmem:v0+s7+$0x0] =	vst.idx.add.s32.msk vm0, v1  }
0x36: {  	s8 =	sadd.s32 $0x10, s8;
	v0 =	vld [tilespmem:s9+$0x0]  }
0x37: {  	_ =	sdelay $0x3  }
0x38: {  	vm0 =	vlt.s32 v0, $0x80  }
0x39: {  	(xrf1) =	vunique.msk.u32 vm0, v0;
	_ =	sdelay $0xd  }
0x3a: {  	s6 =	sand.u32 $0x180, s6;
	_, v1, vm0 =	vpop (xrf1)  }
0x3b: {  	v63 =	vadd.s32 s6, v0;
	_ =	sdelay $0x3  }
0x3c: {  	s24 =	sshll.u32 s4, $0x4;
	s25 =	simm.s32 $0x0  }
0x3d: {  	s26 =	simm.s32 $0x200;
	s28 =	simm.s32 $0x1;
	s5 =	sadd.s32 s5, s24;
	[tilespmem:v63+s7+$0x0] =	vst.idx.add.s32.msk vm0, v1  }
0x3e: {  	[hbm4b:s5+s25] =	stream.linear.scatter [tilespmem:s26], [sflag:$0x1], $0x80, $0x38;
	[tilespmem:$0x600] =	vst v63  }
0x3f: {  	_ =	swait.ge [sflag:s28], $0x80  }
0x40: {  	[sflag:s28] =	ssyncset.done $0x0  }
0x41: {  	s9 =	simm.s32 $0x280;
	s8 =	sadd.s32 $0x100, s5;
	[sflag:s28] =	ssyncadd.s32 $0xFFFFFF80  }
0x42: {  	[hbm4b:s8+s25] =	stream.linear.scatter [tilespmem:s9], [sflag:$0x1], $0x80, $0x38;
	[tilespmem:$0x600] =	vst v63  }
0x43: {  	_ =	swait.ge [sflag:s28], $0x80  }
0x44: {  	[sflag:s28] =	ssyncset.done $0x0  }
0x45: {  	s30 =	simm.s32 $0x300;
	s29 =	sadd.s32 $0x200, s5;
	[sflag:s28] =	ssyncadd.s32 $0xFFFFFF80  }
0x46: {  	[hbm4b:s29+s25] =	stream.linear.scatter [tilespmem:s30], [sflag:$0x1], $0x80, $0x38;
	[tilespmem:$0x600] =	vst v63  }
0x47: {  	_ =	swait.ge [sflag:s28], $0x80  }
0x48: {  	[sflag:s28] =	ssyncset.done $0x0  }
0x49: {  	s31 =	simm.s32 $0x380;
	s5 =	sadd.s32 $0x300, s5;
	[sflag:s28] =	ssyncadd.s32 $0xFFFFFF80  }
0x4a: {  	[hbm4b:s5+s25] =	stream.linear.scatter [tilespmem:s31], [sflag:$0x1], $0x80, $0x38;
	[tilespmem:$0x600] =	vst v63  }
0x4b: {  	_ =	swait.ge [sflag:s28], $0x80  }
0x4c: {  	[sflag:s28] =	ssyncset.done $0x0  }
0x4d: {  	p0 =	sne.s32 s4, $0x0;
	[sflag:s28] =	ssyncadd.s32 $0xFFFFFF80  }
0x4e: {  	_ =	sfence.sel @p0 $0x180000  }
0x4f: {  	[bflag:$0x0] =	sbarrier.arrive @p0 $0xFFFF  }
0x50: {  	_ =	strace @p0 $0x90000047  }
0x51: {  	s4 =	simm.s32 @!p0 $0x0;
	s5 =	simm.s32 @!p0 $0x400;
	[bflag:$0x2] =	sbarrier.arrive @p0 $0xFFFF  }
0x52: {  	[tilespmem:s5], [sflag:$0x1] =	stream.linear.gather @!p0 [hbm4b:s3+s4], $0x80, $0x38;
	[tilespmem:$0x600] =	vst v63  }
0x53: {  	s3 =	simm.s32 @!p0 $0x1  }
0x54: {  	_ =	swait.ge @!p0 [sflag:s3], $0x80  }
0x55: {  	[sflag:s3] =	ssyncset.done @!p0 $0x0  }
0x56: {  	[sflag:s3] =	ssyncadd.s32 @!p0 $0xFFFFFF80  }
0x57: {  	v0 =	vld @!p0 [tilespmem:$0x400];
	_ =	sdelay $0x4  }
0x58: {  	v1 =	vlaneseq.u32 @!p0;
	v0 =	vxor.u32 @!p0 $0x80000000, v0  }
0x59: {  	(xrf1) =	vsort.ascd.msk.u32 @!p0 $0xffff, v0, v1;
	_ =	sdelay $0x4  }
0x5a: {  	v0 =	vimm.s32 @!p0 $0xEDCBA987  }
0x5b: {  	v1 =	vimm.s32 @!p0 $0x65432100;
	v0 =	vunpack.c.l.s4.s8 @!p0 v0  }
0x5c: {  	v1 =	vunpack.c.l.s4.s8 @!p0 v1  }
0x5d: {  	v0 =	vunpack.c.0.s8.s32 @!p0 v0  }
0x5e: {  	v1 =	vunpack.c.0.s8.s32 @!p0 v1  }
0x5f: {  	v0 =	vand.u32 @!p0 $0xF, v0  }
0x60: {  	v0 =	vcombine.low @!p0 v1, v0;
	_ =	sdelay $0x2  }
0x61: {  	v1, v2, _ =	vpop @!p0 (xrf1)  }
0x62: {  	v1 =	vxor.u32 @!p0 $0x80000000, v1  }
0x63: {  	s5 =	simm.s32 @!p0 $0x480;
	[tilespmem:$0x480] =	vst @!p0 v1  }
0x64: {  	v0 =	vld.idx.msk @!p0 [tilespmem:v0+s5+$0x0], $0xffff;
	_ =	sdelay $0x4  }
0x65: {  	vm1 =	vmmov @!p0 $0x1;
	vm0 =	vne.s32 @!p0 v1, v0  }
0x66: {  	v0 =	vimm.s32 @!p0 $0x0;
	vm0 =	vmor @!p0 vm0, vm1  }
0x67: {  	v0 =	vsel @!p0 vm0, $0x1, v0  }
0x68: {  	(xrf0) =	vadd.scan.msk.s32 @!p0 $0xffff, v0;
	_ =	sdelay $0x5  }
0x69: {  	v0, _, _ =	vpop @!p0 (xrf0)  }
0x6a: {  	v0 =	vadd.s32 @!p0 $0xFFFFFFFF, v0;
	_ =	sdelay $0x1  }
0x6b: {  	s5 =	simm.s32 @!p0 $0x580  }
0x6c: {  	[tilespmem:v2+s5+$0x0] =	vst.idx.msk @!p0 $0xffff, v0;
	v2 =	vimm.s32 @!p0 $0x80  }
0x6d: {  	s6 =	simm.s32 @!p0 $0x500;
	[tilespmem:$0x500] =	vst @!p0 v2  }
0x6e: {  	[tilespmem:v0+s6+$0x0] =	vst.idx.msk @!p0 $0xffff, v1  }
0x6f: {  	[hbm4b:s2+s4] =	stream.linear.scatter @!p0 [tilespmem:s6], [sflag:$0x1], $0x80, $0x38;
	[tilespmem:$0x600] =	vst v63  }
0x70: {  	_ =	swait.ge @!p0 [sflag:s3], $0x80  }
0x71: {  	[sflag:s3] =	ssyncset.done @!p0 $0x0  }
0x72: {  	[sflag:s3] =	ssyncadd.s32 @!p0 $0xFFFFFF80  }
0x73: {  	[hbm4b:s1+s4] =	stream.linear.scatter @!p0 [tilespmem:s5], [sflag:$0x1], $0x80, $0x38;
	[tilespmem:$0x600] =	vst v63  }
0x74: {  	_ =	swait.ge @!p0 [sflag:s3], $0x80  }
0x75: {  	[sflag:s3] =	ssyncset.done @!p0 $0x0  }
0x76: {  	[sflag:s3] =	ssyncadd.s32 @!p0 $0xFFFFFF80  }
0x77: {  	_ =	sfence.sel @!p0 $0x180000  }
0x78: {  	[bflag:$0x0] =	sbarrier.arrive @!p0 $0xFFFF  }
0x79: {  	_ =	strace @!p0 $0x90000047  }
0x7a: {  	s0 =	sadd.s32 @!p0 $0x100000, s0;
	[bflag:$0x2] =	sbarrier.arrive @!p0 $0xFFFF  }
0x7b: {  	[sflag:s0] =	ssyncadd.tile.s32 @!p0 $0x1;
	_ =	shalt  }
.Lfunc_end2:
_tile_overlayer_lowered:
.L_overlay_start_2:
0x7c: {  	(tag) =	ssettag $0x2  }
0x7d: {  	s0 =	rddreg [dreg:$0x0];
	s2 =	stileid.u32  }
0x7e: {  	s1 =	rddreg [dreg:$0x1];
	p0 =	sne.s32 s2, $0x0  }
0x7f: {  	s3 =	rddreg [dreg:$0x2];
	[bflag:$0x3] =	sbarrier.arrive $0xFFFF;
	s2 =	simm.s32 @!p0 $0x1C01  }
0x80: {  	[timem:s3], [sflag:s2] =	dma.local @!p0 [hbm:s0], s1  }
0x81: {  	s0 =	simm.s32 @!p0 $0x1  }
0x82: {  	_ =	swait.ge @!p0 [sflag:s0], s1  }
0x83: {  	s1 =	ssub.s32 @!p0 $0x0, s1;
	[sflag:s0] =	ssyncset.done @!p0 $0x0  }
0x84: {  	[sflag:s0] =	ssyncadd.s32 @!p0 s1  }
0x85: {  	[bflag:$0x3] =	sbarrier.arrive $0xFFFF  }
0x86: {  	_ =	shalt  }

</sc_bundles>
